<compile_context>
chip_gen: v7x
topology: tpu7x:2x2x1
jax: 0.10.2.dev20260603
libtpu: 0.0.44.dev20260713+nightly
codegen_flags: <defaults>
</compile_context>

<pallas_src>
import functools

import jax
import jax.numpy as jnp
from jax import lax
from jax.experimental import pallas as pl
from jax.experimental.pallas import tpu as pltpu
from jax.experimental.pallas import tpu_sc as plsc

_TOP_N = 2000
_TOP_N_POST = 300
_NMS_THRESH = 0.7
_ROWS = 16
_COLS = 128
_PAD = _ROWS * _COLS
_TD = 128


def _decode_nms_body(dx_ref, dy_ref, dw_ref, dh_ref,
                     ax1_ref, ay1_ref, ax2_ref, ay2_ref,
                     x1_o, y1_o, x2_o, y2_o, keep_o):
    ax1 = ax1_ref[...]
    ay1 = ay1_ref[...]
    ax2 = ax2_ref[...]
    ay2 = ay2_ref[...]
    aw = ax2 - ax1 + 1.0
    ah = ay2 - ay1 + 1.0
    acx = ax1 + 0.5 * aw
    acy = ay1 + 0.5 * ah
    cx = dx_ref[...] * aw + acx
    cy = dy_ref[...] * ah + acy
    w = jnp.exp(jnp.clip(dw_ref[...], -10.0, 10.0)) * aw
    h = jnp.exp(jnp.clip(dh_ref[...], -10.0, 10.0)) * ah
    x1 = cx - 0.5 * w
    y1 = cy - 0.5 * h
    x2 = cx + 0.5 * w
    y2 = cy + 0.5 * h
    x1_o[...] = x1
    y1_o[...] = y1
    x2_o[...] = x2
    y2_o[...] = y2
    area = jnp.maximum(x2 - x1, 0.0) * jnp.maximum(y2 - y1, 0.0)

    lane = jax.lax.broadcasted_iota(jnp.int32, (1, _COLS), 1)
    flat_idx = (jax.lax.broadcasted_iota(jnp.int32, (_ROWS, _COLS), 0) * _COLS
                + jax.lax.broadcasted_iota(jnp.int32, (_ROWS, _COLS), 1))

    keep = jnp.ones((_ROWS, _COLS), jnp.float32)
    for r in range(_ROWS):
        x1r = x1[r:r + 1, :]
        y1r = y1[r:r + 1, :]
        x2r = x2[r:r + 1, :]
        y2r = y2[r:r + 1, :]
        base = r * _COLS

        def body(c, keep, x1r=x1r, y1r=y1r, x2r=x2r, y2r=y2r, r=r, base=base):
            def pick(row):
                return pltpu.roll(row, -c, axis=1)[:, 0:1]

            bx1 = pick(x1r)
            by1 = pick(y1r)
            bx2 = pick(x2r)
            by2 = pick(y2r)
            bkeep = pick(keep[r:r + 1, :])
            barea = (jnp.maximum(bx2 - bx1, 0.0)
                     * jnp.maximum(by2 - by1, 0.0))

            ix1 = jnp.maximum(bx1, x1)
            iy1 = jnp.maximum(by1, y1)
            ix2 = jnp.minimum(bx2, x2)
            iy2 = jnp.minimum(by2, y2)
            iw = jnp.maximum(ix2 - ix1, 0.0)
            ih = jnp.maximum(iy2 - iy1, 0.0)
            inter = iw * ih
            union = barea + area - inter
            iou = inter / (union + 1e-8)
            sup = (iou > _NMS_THRESH) & (flat_idx > base + c) & (bkeep > 0.5)
            return jnp.where(sup, 0.0, keep)

        keep = jax.lax.fori_loop(0, _COLS, body, keep, unroll=False)
    keep_o[...] = keep


def _sc_gather_rows(table, idx):
    info = plsc.get_sparse_core_info()
    nw = info.num_cores * info.num_subcores
    b_per_w = _PAD // nw
    mesh = plsc.VectorSubcoreMesh(core_axis_name="c", subcore_axis_name="s")

    @functools.partial(
        pl.kernel, mesh=mesh,
        out_type=jax.ShapeDtypeStruct((_PAD, _TD), jnp.float32),
        scratch_types=[
            pltpu.VMEM((b_per_w,), jnp.int32),
            pltpu.VMEM((b_per_w, _TD), jnp.float32),
            pltpu.SemaphoreType.DMA,
        ],
    )
    def gather_k(table_hbm, idx_hbm, out_hbm, idx_v, rows_v, sem):
        wid = lax.axis_index("s") * info.num_cores + lax.axis_index("c")
        base = wid * b_per_w
        pltpu.sync_copy(idx_hbm.at[pl.ds(base, b_per_w)], idx_v)
        pltpu.async_copy(table_hbm.at[idx_v], rows_v, sem).wait()
        pltpu.sync_copy(rows_v, out_hbm.at[pl.ds(base, b_per_w)])

    return gather_k(table, idx)


@jax.jit
def kernel(rpn_box, rpn_prob, anchors):
    objness = 1.0 - rpn_prob[:, 0]
    scores, inds = jax.lax.top_k(objness, _TOP_N)

    n = rpn_box.shape[0]
    table = jnp.concatenate(
        [rpn_box, anchors, jnp.zeros((n, _TD - 8), jnp.float32)], axis=1)
    idx = jnp.pad(inds, (0, _PAD - _TOP_N)).astype(jnp.int32)
    rows = _sc_gather_rows(table, idx)

    ins = [rows[:, j].reshape(_ROWS, _COLS) for j in range(8)]

    shp = jax.ShapeDtypeStruct((_ROWS, _COLS), jnp.float32)
    x1, y1, x2, y2, keepf = pl.pallas_call(
        _decode_nms_body,
        out_shape=[shp] * 5,
    )(*ins)

    decoded = jnp.stack(
        [x1.reshape(-1), y1.reshape(-1), x2.reshape(-1), y2.reshape(-1)],
        axis=1)[:_TOP_N]
    keep = keepf.reshape(-1)[:_TOP_N] > 0.5
    masked = jnp.where(keep, scores, -1e9)
    final_scores, fi = jax.lax.top_k(masked, _TOP_N_POST)
    final_boxes = jnp.take(decoded, fi, axis=0)
    return jnp.concatenate([final_boxes, final_scores[:, None]], axis=1)

# --- scband reference (transcript-rebuilt; emitter-appended) ---
"""Pipeline reference for scband-detection-model-34419867910566 (READ-ONLY COPY).

The authoritative reference and input builder live on the scoring server;
editing this copy changes nothing except your own understanding.
"""

import jax, jax.numpy as jnp
import numpy as np

TOP_N = 2000
TOP_N_POST = 300
NMS_THRESH = 0.7


def _decode(deltas, anchors):
    aw = anchors[:, 2] - anchors[:, 0] + 1.0
    ah = anchors[:, 3] - anchors[:, 1] + 1.0
    acx = anchors[:, 0] + 0.5 * aw
    acy = anchors[:, 1] + 0.5 * ah
    dx, dy, dw, dh = deltas[:, 0], deltas[:, 1], deltas[:, 2], deltas[:, 3]
    cx = dx * aw + acx
    cy = dy * ah + acy
    w = jnp.exp(jnp.clip(dw, -10.0, 10.0)) * aw
    h = jnp.exp(jnp.clip(dh, -10.0, 10.0)) * ah
    x1 = cx - 0.5 * w
    y1 = cy - 0.5 * h
    x2 = cx + 0.5 * w
    y2 = cy + 0.5 * h
    return jnp.stack([x1, y1, x2, y2], axis=1)


def _iou_matrix(boxes):
    x1 = boxes[:, 0]
    y1 = boxes[:, 1]
    x2 = boxes[:, 2]
    y2 = boxes[:, 3]
    area = jnp.maximum(x2 - x1, 0.0) * jnp.maximum(y2 - y1, 0.0)
    ix1 = jnp.maximum(x1[:, None], x1[None, :])
    iy1 = jnp.maximum(y1[:, None], y1[None, :])
    ix2 = jnp.minimum(x2[:, None], x2[None, :])
    iy2 = jnp.minimum(y2[:, None], y2[None, :])
    iw = jnp.maximum(ix2 - ix1, 0.0)
    ih = jnp.maximum(iy2 - iy1, 0.0)
    inter = iw * ih
    union = area[:, None] + area[None, :] - inter
    return inter / (union + 1e-8)


def _nms_keep(boxes, iou_thresh):
    n = boxes.shape[0]
    iou = jax.lax.stop_gradient(_iou_matrix(boxes))
    idx = jnp.arange(n)

    def body(i, keep):
        sup = (iou[i] > iou_thresh) & (idx > i) & keep[i]
        return keep & (~sup)

    keep = jax.lax.fori_loop(0, n, body, jnp.ones((n,), dtype=bool))
    return keep


def setup_inputs(seed: int = 0) -> dict:
    key = jax.random.key(seed)
    k1, k2, k3, k4 = jax.random.split(key, 4)
    rpn_box = 0.2 * jax.random.normal(k1, (20000, 4), dtype=jnp.float32)
    u = jax.random.uniform(k2, (20000, 81), dtype=jnp.float32, minval=1e-3, maxval=1.0)
    rpn_prob = u / jnp.sum(u, axis=1, keepdims=True)
    ctr = jax.random.uniform(k3, (20000, 2), dtype=jnp.float32, minval=0.0, maxval=800.0)
    sz = jax.random.uniform(k4, (20000, 2), dtype=jnp.float32, minval=16.0, maxval=128.0)
    anchors = jnp.concatenate([ctr - 0.5 * sz, ctr + 0.5 * sz], axis=1).astype(jnp.float32)
    return {"rpn_box": rpn_box, "rpn_prob": rpn_prob, "anchors": anchors}


def reference(rpn_box, rpn_prob, anchors):
    # stage-1: objectness = 1 - P(background) (softmax activation)
    objness = 1.0 - rpn_prob[:, 0]
    # choose top_n by descending objectness (sort + slice)
    scores, inds = jax.lax.top_k(objness, TOP_N)
    selected_boxes = jnp.take(rpn_box, inds, axis=0)
    anchor_ids = jnp.mod(inds, anchors.shape[0])
    selected_anchors = jnp.take(anchors, anchor_ids, axis=0)
    decoded = _decode(selected_boxes, selected_anchors)
    # greedy NMS with overlap_threshold
    keep = _nms_keep(decoded, NMS_THRESH)
    masked_scores = jnp.where(keep, scores, -1e9)
    final_scores, fi = jax.lax.top_k(masked_scores, TOP_N_POST)
    final_boxes = jnp.take(decoded, fi, axis=0)
    return jnp.concatenate([final_boxes, final_scores[:, None]], axis=1)

if __name__ == "__main__":
    import jax
    _d = setup_inputs()
    print(jax.jit(kernel)(*tuple(_d.values())))

</pallas_src>

<mosaic_0001>
#map = affine_map<(d0, d1) -> (0, 0)>
#map1 = affine_map<(d0, d1) -> (0)>
module attributes {stable_mosaic.version = 14 : i64} {
  func.func @gather_k(%arg0: i32, %arg1: i32, %arg2: memref<20000x128xf32, #tpu.memory_space<hbm>>, %arg3: memref<2048xi32, #tpu.memory_space<hbm>>, %arg4: memref<2048x128xf32, #tpu.memory_space<hbm>>, %arg5: memref<64xi32, #tpu.memory_space<vmem>>, %arg6: memref<64x128xf32, #tpu.memory_space<vmem>>, %arg7: memref<!tpu.dma_semaphore, #tpu.memory_space<semaphore_mem>>) attributes {dimension_semantics = [#tpu.dimension_semantics<core_parallel>, #tpu.dimension_semantics<subcore_parallel>], iteration_bounds = array<i64: 2, 16>, scalar_prefetch = 0 : i64, scratch_operands = 3 : i64, tpu.core_type = #tpu.core_type<sc_vector_subcore>, window_params = [{transform_indices = #map}, {transform_indices = #map1}, {transform_indices = #map}]} {
    %mul3A = arith.constant 2 : i32
    %mul3A_0 = arith.muli %arg1, %mul3A : i32
    %add3A = arith.addi %mul3A_0, %arg0 : i32
    %mul3A_1 = arith.constant 64 : i32
    %mul3A_2 = arith.muli %add3A, %mul3A_1 : i32
    "tpu.region"() ({
      %run_scoped3A = tpu.sem_alloc : memref<!tpu.dma_semaphore, #tpu.memory_space<semaphore_mem>>
      %dma_start3A_7 = tpu.memref_slice %arg3[%mul3A_2] : memref<2048xi32, #tpu.memory_space<hbm>> -> memref<64xi32, #tpu.memory_space<hbm>>
      %dma_start3A_8 = tpu.memref_slice %arg3[%mul3A_2] : memref<2048xi32, #tpu.memory_space<hbm>> -> memref<64xi32, #tpu.memory_space<hbm>>
      tpu.enqueue_dma source(%dma_start3A_8 : memref<64xi32, #tpu.memory_space<hbm>>) target(%arg5 : memref<64xi32, #tpu.memory_space<vmem>>) target_semaphore(%run_scoped3A : memref<!tpu.dma_semaphore, #tpu.memory_space<semaphore_mem>>)
      %dma_wait3A_9 = tpu.memref_slice %arg3[%mul3A_2] : memref<2048xi32, #tpu.memory_space<hbm>> -> memref<64xi32, #tpu.memory_space<hbm>>
      %dma_wait3A_10 = tpu.memref_slice %arg3[%mul3A_2] : memref<2048xi32, #tpu.memory_space<hbm>> -> memref<64xi32, #tpu.memory_space<hbm>>
      tpu.wait_dma2 semaphore(%run_scoped3A : memref<!tpu.dma_semaphore, #tpu.memory_space<semaphore_mem>>) src(%dma_wait3A_10 : memref<64xi32, #tpu.memory_space<hbm>>) dst(%arg5 : memref<64xi32, #tpu.memory_space<vmem>>)
      tpu.yield
    }) : () -> ()
    %dma_start3A = arith.constant 0 : i32
    %dma_start3A_3 = arith.constant 0 : i32
    %dma_start3A_4 = tpu.memref_slice %arg2[%dma_start3A, %dma_start3A_3] : memref<20000x128xf32, #tpu.memory_space<hbm>> -> memref<20000x128xf32, #tpu.memory_space<hbm>>
    tpu.enqueue_indirect_dma source(%dma_start3A_4 : memref<20000x128xf32, #tpu.memory_space<hbm>>) target(%arg6 : memref<64x128xf32, #tpu.memory_space<vmem>>) offsets(%arg5 : memref<64xi32, #tpu.memory_space<vmem>>) semaphore(%arg7 : memref<!tpu.dma_semaphore, #tpu.memory_space<semaphore_mem>>)
    %dma_wait3A = arith.constant 0 : i32
    %dma_wait3A_5 = arith.constant 0 : i32
    %dma_wait3A_6 = tpu.memref_slice %arg2[%dma_wait3A, %dma_wait3A_5] : memref<20000x128xf32, #tpu.memory_space<hbm>> -> memref<20000x128xf32, #tpu.memory_space<hbm>>
    tpu.wait_indirect_dma semaphore(%arg7 : memref<!tpu.dma_semaphore, #tpu.memory_space<semaphore_mem>>) src(%dma_wait3A_6 : memref<20000x128xf32, #tpu.memory_space<hbm>>) dst(%arg6 : memref<64x128xf32, #tpu.memory_space<vmem>>)
    "tpu.region"() ({
      %run_scoped3A = tpu.sem_alloc : memref<!tpu.dma_semaphore, #tpu.memory_space<semaphore_mem>>
      %dma_start3A_7 = arith.constant 0 : i32
      %dma_start3A_8 = tpu.memref_slice %arg4[%mul3A_2, %dma_start3A_7] : memref<2048x128xf32, #tpu.memory_space<hbm>> -> memref<64x128xf32, #tpu.memory_space<hbm>>
      %dma_start3A_9 = arith.constant 0 : i32
      %dma_start3A_10 = tpu.memref_slice %arg4[%mul3A_2, %dma_start3A_9] : memref<2048x128xf32, #tpu.memory_space<hbm>> -> memref<64x128xf32, #tpu.memory_space<hbm>>
      tpu.enqueue_dma source(%arg6 : memref<64x128xf32, #tpu.memory_space<vmem>>) target(%dma_start3A_10 : memref<64x128xf32, #tpu.memory_space<hbm>>) target_semaphore(%run_scoped3A : memref<!tpu.dma_semaphore, #tpu.memory_space<semaphore_mem>>)
      %dma_wait3A_11 = arith.constant 0 : i32
      %dma_wait3A_12 = tpu.memref_slice %arg4[%mul3A_2, %dma_wait3A_11] : memref<2048x128xf32, #tpu.memory_space<hbm>> -> memref<64x128xf32, #tpu.memory_space<hbm>>
      %dma_wait3A_13 = arith.constant 0 : i32
      %dma_wait3A_14 = tpu.memref_slice %arg4[%mul3A_2, %dma_wait3A_13] : memref<2048x128xf32, #tpu.memory_space<hbm>> -> memref<64x128xf32, #tpu.memory_space<hbm>>
      tpu.wait_dma2 semaphore(%run_scoped3A : memref<!tpu.dma_semaphore, #tpu.memory_space<semaphore_mem>>) src(%arg6 : memref<64x128xf32, #tpu.memory_space<vmem>>) dst(%dma_wait3A_14 : memref<64x128xf32, #tpu.memory_space<hbm>>)
      tpu.yield
    }) : () -> ()
    return
  }
}

module attributes {stable_mosaic.version = 14 : i64} {
  func.func @_decode_nms_body(%arg0: memref<16x128xf32, #tpu.memory_space<vmem>>, %arg1: memref<16x128xf32, #tpu.memory_space<vmem>>, %arg2: memref<16x128xf32, #tpu.memory_space<vmem>>, %arg3: memref<16x128xf32, #tpu.memory_space<vmem>>, %arg4: memref<16x128xf32, #tpu.memory_space<vmem>>, %arg5: memref<16x128xf32, #tpu.memory_space<vmem>>, %arg6: memref<16x128xf32, #tpu.memory_space<vmem>>, %arg7: memref<16x128xf32, #tpu.memory_space<vmem>>, %arg8: memref<16x128xf32, #tpu.memory_space<vmem>>, %arg9: memref<16x128xf32, #tpu.memory_space<vmem>>, %arg10: memref<16x128xf32, #tpu.memory_space<vmem>>, %arg11: memref<16x128xf32, #tpu.memory_space<vmem>>, %arg12: memref<16x128xf32, #tpu.memory_space<vmem>>) attributes {dimension_semantics = [], scalar_prefetch = 0 : i64, scratch_operands = 0 : i64, tpu.core_type = #tpu.core_type<tc>} {
    %get3A = arith.constant 0 : index
    %get3A_0 = arith.constant 0 : index
    %get3A_1 = vector.load %arg4[%get3A, %get3A_0] : memref<16x128xf32, #tpu.memory_space<vmem>>, vector<16x128xf32>
    %get3A_2 = arith.constant 0 : index
    %get3A_3 = arith.constant 0 : index
    %get3A_4 = vector.load %arg5[%get3A_2, %get3A_3] : memref<16x128xf32, #tpu.memory_space<vmem>>, vector<16x128xf32>
    %get3A_5 = arith.constant 0 : index
    %get3A_6 = arith.constant 0 : index
    %get3A_7 = vector.load %arg6[%get3A_5, %get3A_6] : memref<16x128xf32, #tpu.memory_space<vmem>>, vector<16x128xf32>
    %get3A_8 = arith.constant 0 : index
    %get3A_9 = arith.constant 0 : index
    %get3A_10 = vector.load %arg7[%get3A_8, %get3A_9] : memref<16x128xf32, #tpu.memory_space<vmem>>, vector<16x128xf32>
    %sub3A = arith.subf %get3A_7, %get3A_1 : vector<16x128xf32>
    %add3A = arith.constant 1.000000e+00 : f32
    %add3A_11 = vector.broadcast %add3A : f32 to vector<16x128xf32>
    %add3A_12 = arith.addf %sub3A, %add3A_11 : vector<16x128xf32>
    %sub3A_13 = arith.subf %get3A_10, %get3A_4 : vector<16x128xf32>
    %add3A_14 = arith.constant 1.000000e+00 : f32
    %add3A_15 = vector.broadcast %add3A_14 : f32 to vector<16x128xf32>
    %add3A_16 = arith.addf %sub3A_13, %add3A_15 : vector<16x128xf32>
    %mul3A = arith.constant 5.000000e-01 : f32
    %mul3A_17 = vector.broadcast %mul3A : f32 to vector<16x128xf32>
    %mul3A_18 = arith.mulf %mul3A_17, %add3A_12 : vector<16x128xf32>
    %add3A_19 = arith.addf %get3A_1, %mul3A_18 : vector<16x128xf32>
    %mul3A_20 = arith.constant 5.000000e-01 : f32
    %mul3A_21 = vector.broadcast %mul3A_20 : f32 to vector<16x128xf32>
    %mul3A_22 = arith.mulf %mul3A_21, %add3A_16 : vector<16x128xf32>
    %add3A_23 = arith.addf %get3A_4, %mul3A_22 : vector<16x128xf32>
    %get3A_24 = arith.constant 0 : index
    %get3A_25 = arith.constant 0 : index
    %get3A_26 = vector.load %arg0[%get3A_24, %get3A_25] : memref<16x128xf32, #tpu.memory_space<vmem>>, vector<16x128xf32>
    %mul3A_27 = arith.mulf %get3A_26, %add3A_12 : vector<16x128xf32>
    %add3A_28 = arith.addf %mul3A_27, %add3A_19 : vector<16x128xf32>
    %get3A_29 = arith.constant 0 : index
    %get3A_30 = arith.constant 0 : index
    %get3A_31 = vector.load %arg1[%get3A_29, %get3A_30] : memref<16x128xf32, #tpu.memory_space<vmem>>, vector<16x128xf32>
    %mul3A_32 = arith.mulf %get3A_31, %add3A_16 : vector<16x128xf32>
    %add3A_33 = arith.addf %mul3A_32, %add3A_23 : vector<16x128xf32>
    %get3A_34 = arith.constant 0 : index
    %get3A_35 = arith.constant 0 : index
    %get3A_36 = vector.load %arg2[%get3A_34, %get3A_35] : memref<16x128xf32, #tpu.memory_space<vmem>>, vector<16x128xf32>
    %jit3A = arith.constant -1.000000e+01 : f32
    %jit3A_37 = arith.constant 1.000000e+01 : f32
    %max3A = vector.broadcast %jit3A : f32 to vector<16x128xf32>
    %max3A_38 = arith.maximumf %max3A, %get3A_36 : vector<16x128xf32>
    %min3A = vector.broadcast %jit3A_37 : f32 to vector<16x128xf32>
    %min3A_39 = arith.minimumf %min3A, %max3A_38 : vector<16x128xf32>
    %exp3A = math.exp %min3A_39 : vector<16x128xf32>
    %mul3A_40 = arith.mulf %exp3A, %add3A_12 : vector<16x128xf32>
    %get3A_41 = arith.constant 0 : index
    %get3A_42 = arith.constant 0 : index
    %get3A_43 = vector.load %arg3[%get3A_41, %get3A_42] : memref<16x128xf32, #tpu.memory_space<vmem>>, vector<16x128xf32>
    %jit3A_44 = arith.constant -1.000000e+01 : f32
    %jit3A_45 = arith.constant 1.000000e+01 : f32
    %max3A_46 = vector.broadcast %jit3A_44 : f32 to vector<16x128xf32>
    %max3A_47 = arith.maximumf %max3A_46, %get3A_43 : vector<16x128xf32>
    %min3A_48 = vector.broadcast %jit3A_45 : f32 to vector<16x128xf32>
    %min3A_49 = arith.minimumf %min3A_48, %max3A_47 : vector<16x128xf32>
    %exp3A_50 = math.exp %min3A_49 : vector<16x128xf32>
    %mul3A_51 = arith.mulf %exp3A_50, %add3A_16 : vector<16x128xf32>
    %mul3A_52 = arith.constant 5.000000e-01 : f32
    %mul3A_53 = vector.broadcast %mul3A_52 : f32 to vector<16x128xf32>
    %mul3A_54 = arith.mulf %mul3A_53, %mul3A_40 : vector<16x128xf32>
    %sub3A_55 = arith.subf %add3A_28, %mul3A_54 : vector<16x128xf32>
    %mul3A_56 = arith.constant 5.000000e-01 : f32
    %mul3A_57 = vector.broadcast %mul3A_56 : f32 to vector<16x128xf32>
    %mul3A_58 = arith.mulf %mul3A_57, %mul3A_51 : vector<16x128xf32>
    %sub3A_59 = arith.subf %add3A_33, %mul3A_58 : vector<16x128xf32>
    %mul3A_60 = arith.constant 5.000000e-01 : f32
    %mul3A_61 = vector.broadcast %mul3A_60 : f32 to vector<16x128xf32>
    %mul3A_62 = arith.mulf %mul3A_61, %mul3A_40 : vector<16x128xf32>
    %add3A_63 = arith.addf %add3A_28, %mul3A_62 : vector<16x128xf32>
    %mul3A_64 = arith.constant 5.000000e-01 : f32
    %mul3A_65 = vector.broadcast %mul3A_64 : f32 to vector<16x128xf32>
    %mul3A_66 = arith.mulf %mul3A_65, %mul3A_51 : vector<16x128xf32>
    %add3A_67 = arith.addf %add3A_33, %mul3A_66 : vector<16x128xf32>
    %swap3A = arith.constant 0 : index
    %swap3A_68 = arith.constant 0 : index
    %swap3A_69 = vector.load %arg8[%swap3A, %swap3A_68] : memref<16x128xf32, #tpu.memory_space<vmem>>, vector<16x128xf32>
    tpu.vector_store %arg8[%swap3A, %swap3A_68], %sub3A_55 {strides = array<i32>} : memref<16x128xf32, #tpu.memory_space<vmem>>, vector<16x128xf32>,
    %swap3A_70 = arith.constant 0 : index
    %swap3A_71 = arith.constant 0 : index
    %swap3A_72 = vector.load %arg9[%swap3A_70, %swap3A_71] : memref<16x128xf32, #tpu.memory_space<vmem>>, vector<16x128xf32>
    tpu.vector_store %arg9[%swap3A_70, %swap3A_71], %sub3A_59 {strides = array<i32>} : memref<16x128xf32, #tpu.memory_space<vmem>>, vector<16x128xf32>,
    %swap3A_73 = arith.constant 0 : index
    %swap3A_74 = arith.constant 0 : index
    %swap3A_75 = vector.load %arg10[%swap3A_73, %swap3A_74] : memref<16x128xf32, #tpu.memory_space<vmem>>, vector<16x128xf32>
    tpu.vector_store %arg10[%swap3A_73, %swap3A_74], %add3A_63 {strides = array<i32>} : memref<16x128xf32, #tpu.memory_space<vmem>>, vector<16x128xf32>,
    %swap3A_76 = arith.constant 0 : index
    %swap3A_77 = arith.constant 0 : index
    %swap3A_78 = vector.load %arg11[%swap3A_76, %swap3A_77] : memref<16x128xf32, #tpu.memory_space<vmem>>, vector<16x128xf32>
    tpu.vector_store %arg11[%swap3A_76, %swap3A_77], %add3A_67 {strides = array<i32>} : memref<16x128xf32, #tpu.memory_space<vmem>>, vector<16x128xf32>,
    %sub3A_79 = arith.subf %add3A_63, %sub3A_55 : vector<16x128xf32>
    %max3A_80 = arith.constant 0.000000e+00 : f32
    %max3A_81 = vector.broadcast %max3A_80 : f32 to vector<16x128xf32>
    %max3A_82 = arith.maximumf %sub3A_79, %max3A_81 : vector<16x128xf32>
    %sub3A_83 = arith.subf %add3A_67, %sub3A_59 : vector<16x128xf32>
    %max3A_84 = arith.constant 0.000000e+00 : f32
    %max3A_85 = vector.broadcast %max3A_84 : f32 to vector<16x128xf32>
    %max3A_86 = arith.maximumf %sub3A_83, %max3A_85 : vector<16x128xf32>
    %mul3A_87 = arith.mulf %max3A_82, %max3A_86 : vector<16x128xf32>
    %iota3A = tpu.iota {dimensions = array<i32: 0>} : vector<16x128xi32>
    %mul3A_88 = arith.constant 128 : i32
    %mul3A_89 = vector.broadcast %mul3A_88 : i32 to vector<16x128xi32>
    %mul3A_90 = arith.muli %iota3A, %mul3A_89 : vector<16x128xi32>
    %iota3A_91 = tpu.iota {dimensions = array<i32: 1>} : vector<16x128xi32>
    %add3A_92 = arith.addi %mul3A_90, %iota3A_91 : vector<16x128xi32>
    %broadcast_in_dim3A = arith.constant 1.000000e+00 : f32
    %broadcast_in_dim3A_93 = vector.broadcast %broadcast_in_dim3A : f32 to vector<16x128xf32>
    %slice3A = vector.extract_strided_slice %sub3A_55 {offsets = [0, 0], sizes = [1, 128], strides = [1, 1]} : vector<16x128xf32> to vector<1x128xf32>
    %slice3A_94 = vector.extract_strided_slice %sub3A_59 {offsets = [0, 0], sizes = [1, 128], strides = [1, 1]} : vector<16x128xf32> to vector<1x128xf32>
    %slice3A_95 = vector.extract_strided_slice %add3A_63 {offsets = [0, 0], sizes = [1, 128], strides = [1, 1]} : vector<16x128xf32> to vector<1x128xf32>
    %slice3A_96 = vector.extract_strided_slice %add3A_67 {offsets = [0, 0], sizes = [1, 128], strides = [1, 1]} : vector<16x128xf32> to vector<1x128xf32>
    %scan3A = arith.constant 0 : i32
    %scan3A_97 = arith.constant 128 : i32
    %scan3A_98 = arith.addi %scan3A, %scan3A_97 : i32
    %scan3A_99 = arith.constant 1 : i32
    %scan3A_100 = scf.for %scan3A_255 = %scan3A to %scan3A_98 step %scan3A_99 iter_args(%scan3A_256 = %broadcast_in_dim3A_93) -> (vector<16x128xf32>)  : i32 {
      %neg3A = arith.constant 0 : i32
      %neg3A_257 = arith.subi %neg3A, %scan3A_255 : i32
      %roll3A = tpu.dynamic_rotate %slice3A by %neg3A_257 dim 1 : vector<1x128xf32>, i32 -> vector<1x128xf32>
      %slice3A_258 = vector.extract_strided_slice %roll3A {offsets = [0, 0], sizes = [1, 1], strides = [1, 1]} : vector<1x128xf32> to vector<1x1xf32>
      %neg3A_259 = arith.constant 0 : i32
      %neg3A_260 = arith.subi %neg3A_259, %scan3A_255 : i32
      %roll3A_261 = tpu.dynamic_rotate %slice3A_94 by %neg3A_260 dim 1 : vector<1x128xf32>, i32 -> vector<1x128xf32>
      %slice3A_262 = vector.extract_strided_slice %roll3A_261 {offsets = [0, 0], sizes = [1, 1], strides = [1, 1]} : vector<1x128xf32> to vector<1x1xf32>
      %neg3A_263 = arith.constant 0 : i32
      %neg3A_264 = arith.subi %neg3A_263, %scan3A_255 : i32
      %roll3A_265 = tpu.dynamic_rotate %slice3A_95 by %neg3A_264 dim 1 : vector<1x128xf32>, i32 -> vector<1x128xf32>
      %slice3A_266 = vector.extract_strided_slice %roll3A_265 {offsets = [0, 0], sizes = [1, 1], strides = [1, 1]} : vector<1x128xf32> to vector<1x1xf32>
      %neg3A_267 = arith.constant 0 : i32
      %neg3A_268 = arith.subi %neg3A_267, %scan3A_255 : i32
      %roll3A_269 = tpu.dynamic_rotate %slice3A_96 by %neg3A_268 dim 1 : vector<1x128xf32>, i32 -> vector<1x128xf32>
      %slice3A_270 = vector.extract_strided_slice %roll3A_269 {offsets = [0, 0], sizes = [1, 1], strides = [1, 1]} : vector<1x128xf32> to vector<1x1xf32>
      %slice3A_271 = vector.extract_strided_slice %scan3A_256 {offsets = [0, 0], sizes = [1, 128], strides = [1, 1]} : vector<16x128xf32> to vector<1x128xf32>
      %neg3A_272 = arith.constant 0 : i32
      %neg3A_273 = arith.subi %neg3A_272, %scan3A_255 : i32
      %roll3A_274 = tpu.dynamic_rotate %slice3A_271 by %neg3A_273 dim 1 : vector<1x128xf32>, i32 -> vector<1x128xf32>
      %slice3A_275 = vector.extract_strided_slice %roll3A_274 {offsets = [0, 0], sizes = [1, 1], strides = [1, 1]} : vector<1x128xf32> to vector<1x1xf32>
      %sub3A_276 = arith.subf %slice3A_266, %slice3A_258 : vector<1x1xf32>
      %max3A_277 = arith.constant 0.000000e+00 : f32
      %max3A_278 = vector.broadcast %max3A_277 : f32 to vector<1x1xf32>
      %max3A_279 = arith.maximumf %sub3A_276, %max3A_278 : vector<1x1xf32>
      %sub3A_280 = arith.subf %slice3A_270, %slice3A_262 : vector<1x1xf32>
      %max3A_281 = arith.constant 0.000000e+00 : f32
      %max3A_282 = vector.broadcast %max3A_281 : f32 to vector<1x1xf32>
      %max3A_283 = arith.maximumf %sub3A_280, %max3A_282 : vector<1x1xf32>
      %mul3A_284 = arith.mulf %max3A_279, %max3A_283 : vector<1x1xf32>
      %max3A_285 = vector.broadcast %slice3A_258 : vector<1x1xf32> to vector<16x128xf32>
      %max3A_286 = arith.maximumf %max3A_285, %sub3A_55 : vector<16x128xf32>
      %max3A_287 = vector.broadcast %slice3A_262 : vector<1x1xf32> to vector<16x128xf32>
      %max3A_288 = arith.maximumf %max3A_287, %sub3A_59 : vector<16x128xf32>
      %min3A_289 = vector.broadcast %slice3A_266 : vector<1x1xf32> to vector<16x128xf32>
      %min3A_290 = arith.minimumf %min3A_289, %add3A_63 : vector<16x128xf32>
      %min3A_291 = vector.broadcast %slice3A_270 : vector<1x1xf32> to vector<16x128xf32>
      %min3A_292 = arith.minimumf %min3A_291, %add3A_67 : vector<16x128xf32>
      %sub3A_293 = arith.subf %min3A_290, %max3A_286 : vector<16x128xf32>
      %max3A_294 = arith.constant 0.000000e+00 : f32
      %max3A_295 = vector.broadcast %max3A_294 : f32 to vector<16x128xf32>
      %max3A_296 = arith.maximumf %sub3A_293, %max3A_295 : vector<16x128xf32>
      %sub3A_297 = arith.subf %min3A_292, %max3A_288 : vector<16x128xf32>
      %max3A_298 = arith.constant 0.000000e+00 : f32
      %max3A_299 = vector.broadcast %max3A_298 : f32 to vector<16x128xf32>
      %max3A_300 = arith.maximumf %sub3A_297, %max3A_299 : vector<16x128xf32>
      %mul3A_301 = arith.mulf %max3A_296, %max3A_300 : vector<16x128xf32>
      %add3A_302 = vector.broadcast %mul3A_284 : vector<1x1xf32> to vector<16x128xf32>
      %add3A_303 = arith.addf %add3A_302, %mul3A_87 : vector<16x128xf32>
      %sub3A_304 = arith.subf %add3A_303, %mul3A_301 : vector<16x128xf32>
      %add3A_305 = arith.constant 9.99999993E-9 : f32
      %add3A_306 = vector.broadcast %add3A_305 : f32 to vector<16x128xf32>
      %add3A_307 = arith.addf %sub3A_304, %add3A_306 : vector<16x128xf32>
      %div3A = arith.divf %mul3A_301, %add3A_307 : vector<16x128xf32>
      %gt3A = arith.constant 0.699999988 : f32
      %gt3A_308 = vector.broadcast %gt3A : f32 to vector<16x128xf32>
      %gt3A_309 = arith.cmpf ogt, %div3A, %gt3A_308 : vector<16x128xf32>
      %add3A_310 = arith.constant 0 : i32
      %add3A_311 = arith.addi %add3A_310, %scan3A_255 : i32
      %gt3A_312 = vector.broadcast %add3A_311 : i32 to vector<16x128xi32>
      %gt3A_313 = arith.cmpi sgt, %add3A_92, %gt3A_312 : vector<16x128xi32>
      %and3A = arith.andi %gt3A_309, %gt3A_313 : vector<16x128xi1>
      %gt3A_314 = arith.constant 5.000000e-01 : f32
      %gt3A_315 = vector.broadcast %gt3A_314 : f32 to vector<1x1xf32>
      %gt3A_316 = arith.cmpf ogt, %slice3A_275, %gt3A_315 : vector<1x1xf32>
      %and3A_317 = vector.broadcast %gt3A_316 : vector<1x1xi1> to vector<16x128xi1>
      %and3A_318 = arith.andi %and3A, %and3A_317 : vector<16x128xi1>
      %jit3A_319 = arith.constant 0.000000e+00 : f32
      %broadcast_in_dim3A_320 = vector.broadcast %jit3A_319 : f32 to vector<16x128xf32>
      %select_n3A = arith.select %and3A_318, %broadcast_in_dim3A_320, %scan3A_256 : vector<16x128xi1>, vector<16x128xf32>
      scf.yield %select_n3A : vector<16x128xf32>
    }
    %scan3A_101 = arith.constant 128 : i32
    %slice3A_102 = vector.extract_strided_slice %sub3A_55 {offsets = [1, 0], sizes = [1, 128], strides = [1, 1]} : vector<16x128xf32> to vector<1x128xf32>
    %slice3A_103 = vector.extract_strided_slice %sub3A_59 {offsets = [1, 0], sizes = [1, 128], strides = [1, 1]} : vector<16x128xf32> to vector<1x128xf32>
    %slice3A_104 = vector.extract_strided_slice %add3A_63 {offsets = [1, 0], sizes = [1, 128], strides = [1, 1]} : vector<16x128xf32> to vector<1x128xf32>
    %slice3A_105 = vector.extract_strided_slice %add3A_67 {offsets = [1, 0], sizes = [1, 128], strides = [1, 1]} : vector<16x128xf32> to vector<1x128xf32>
    %scan3A_106 = arith.constant 0 : i32
    %scan3A_107 = arith.constant 128 : i32
    %scan3A_108 = arith.addi %scan3A_106, %scan3A_107 : i32
    %scan3A_109 = arith.constant 1 : i32
    %scan3A_110 = scf.for %scan3A_255 = %scan3A_106 to %scan3A_108 step %scan3A_109 iter_args(%scan3A_256 = %scan3A_100) -> (vector<16x128xf32>)  : i32 {
      %neg3A = arith.constant 0 : i32
      %neg3A_257 = arith.subi %neg3A, %scan3A_255 : i32
      %roll3A = tpu.dynamic_rotate %slice3A_102 by %neg3A_257 dim 1 : vector<1x128xf32>, i32 -> vector<1x128xf32>
      %slice3A_258 = vector.extract_strided_slice %roll3A {offsets = [0, 0], sizes = [1, 1], strides = [1, 1]} : vector<1x128xf32> to vector<1x1xf32>
      %neg3A_259 = arith.constant 0 : i32
      %neg3A_260 = arith.subi %neg3A_259, %scan3A_255 : i32
      %roll3A_261 = tpu.dynamic_rotate %slice3A_103 by %neg3A_260 dim 1 : vector<1x128xf32>, i32 -> vector<1x128xf32>
      %slice3A_262 = vector.extract_strided_slice %roll3A_261 {offsets = [0, 0], sizes = [1, 1], strides = [1, 1]} : vector<1x128xf32> to vector<1x1xf32>
      %neg3A_263 = arith.constant 0 : i32
      %neg3A_264 = arith.subi %neg3A_263, %scan3A_255 : i32
      %roll3A_265 = tpu.dynamic_rotate %slice3A_104 by %neg3A_264 dim 1 : vector<1x128xf32>, i32 -> vector<1x128xf32>
      %slice3A_266 = vector.extract_strided_slice %roll3A_265 {offsets = [0, 0], sizes = [1, 1], strides = [1, 1]} : vector<1x128xf32> to vector<1x1xf32>
      %neg3A_267 = arith.constant 0 : i32
      %neg3A_268 = arith.subi %neg3A_267, %scan3A_255 : i32
      %roll3A_269 = tpu.dynamic_rotate %slice3A_105 by %neg3A_268 dim 1 : vector<1x128xf32>, i32 -> vector<1x128xf32>
      %slice3A_270 = vector.extract_strided_slice %roll3A_269 {offsets = [0, 0], sizes = [1, 1], strides = [1, 1]} : vector<1x128xf32> to vector<1x1xf32>
      %slice3A_271 = vector.extract_strided_slice %scan3A_256 {offsets = [1, 0], sizes = [1, 128], strides = [1, 1]} : vector<16x128xf32> to vector<1x128xf32>
      %neg3A_272 = arith.constant 0 : i32
      %neg3A_273 = arith.subi %neg3A_272, %scan3A_255 : i32
      %roll3A_274 = tpu.dynamic_rotate %slice3A_271 by %neg3A_273 dim 1 : vector<1x128xf32>, i32 -> vector<1x128xf32>
      %slice3A_275 = vector.extract_strided_slice %roll3A_274 {offsets = [0, 0], sizes = [1, 1], strides = [1, 1]} : vector<1x128xf32> to vector<1x1xf32>
      %sub3A_276 = arith.subf %slice3A_266, %slice3A_258 : vector<1x1xf32>
      %max3A_277 = arith.constant 0.000000e+00 : f32
      %max3A_278 = vector.broadcast %max3A_277 : f32 to vector<1x1xf32>
      %max3A_279 = arith.maximumf %sub3A_276, %max3A_278 : vector<1x1xf32>
      %sub3A_280 = arith.subf %slice3A_270, %slice3A_262 : vector<1x1xf32>
      %max3A_281 = arith.constant 0.000000e+00 : f32
      %max3A_282 = vector.broadcast %max3A_281 : f32 to vector<1x1xf32>
      %max3A_283 = arith.maximumf %sub3A_280, %max3A_282 : vector<1x1xf32>
      %mul3A_284 = arith.mulf %max3A_279, %max3A_283 : vector<1x1xf32>
      %max3A_285 = vector.broadcast %slice3A_258 : vector<1x1xf32> to vector<16x128xf32>
      %max3A_286 = arith.maximumf %max3A_285, %sub3A_55 : vector<16x128xf32>
      %max3A_287 = vector.broadcast %slice3A_262 : vector<1x1xf32> to vector<16x128xf32>
      %max3A_288 = arith.maximumf %max3A_287, %sub3A_59 : vector<16x128xf32>
      %min3A_289 = vector.broadcast %slice3A_266 : vector<1x1xf32> to vector<16x128xf32>
      %min3A_290 = arith.minimumf %min3A_289, %add3A_63 : vector<16x128xf32>
      %min3A_291 = vector.broadcast %slice3A_270 : vector<1x1xf32> to vector<16x128xf32>
      %min3A_292 = arith.minimumf %min3A_291, %add3A_67 : vector<16x128xf32>
      %sub3A_293 = arith.subf %min3A_290, %max3A_286 : vector<16x128xf32>
      %max3A_294 = arith.constant 0.000000e+00 : f32
      %max3A_295 = vector.broadcast %max3A_294 : f32 to vector<16x128xf32>
      %max3A_296 = arith.maximumf %sub3A_293, %max3A_295 : vector<16x128xf32>
      %sub3A_297 = arith.subf %min3A_292, %max3A_288 : vector<16x128xf32>
      %max3A_298 = arith.constant 0.000000e+00 : f32
      %max3A_299 = vector.broadcast %max3A_298 : f32 to vector<16x128xf32>
      %max3A_300 = arith.maximumf %sub3A_297, %max3A_299 : vector<16x128xf32>
      %mul3A_301 = arith.mulf %max3A_296, %max3A_300 : vector<16x128xf32>
      %add3A_302 = vector.broadcast %mul3A_284 : vector<1x1xf32> to vector<16x128xf32>
      %add3A_303 = arith.addf %add3A_302, %mul3A_87 : vector<16x128xf32>
      %sub3A_304 = arith.subf %add3A_303, %mul3A_301 : vector<16x128xf32>
      %add3A_305 = arith.constant 9.99999993E-9 : f32
      %add3A_306 = vector.broadcast %add3A_305 : f32 to vector<16x128xf32>
      %add3A_307 = arith.addf %sub3A_304, %add3A_306 : vector<16x128xf32>
      %div3A = arith.divf %mul3A_301, %add3A_307 : vector<16x128xf32>
      %gt3A = arith.constant 0.699999988 : f32
      %gt3A_308 = vector.broadcast %gt3A : f32 to vector<16x128xf32>
      %gt3A_309 = arith.cmpf ogt, %div3A, %gt3A_308 : vector<16x128xf32>
      %add3A_310 = arith.constant 128 : i32
      %add3A_311 = arith.addi %add3A_310, %scan3A_255 : i32
      %gt3A_312 = vector.broadcast %add3A_311 : i32 to vector<16x128xi32>
      %gt3A_313 = arith.cmpi sgt, %add3A_92, %gt3A_312 : vector<16x128xi32>
      %and3A = arith.andi %gt3A_309, %gt3A_313 : vector<16x128xi1>
      %gt3A_314 = arith.constant 5.000000e-01 : f32
      %gt3A_315 = vector.broadcast %gt3A_314 : f32 to vector<1x1xf32>
      %gt3A_316 = arith.cmpf ogt, %slice3A_275, %gt3A_315 : vector<1x1xf32>
      %and3A_317 = vector.broadcast %gt3A_316 : vector<1x1xi1> to vector<16x128xi1>
      %and3A_318 = arith.andi %and3A, %and3A_317 : vector<16x128xi1>
      %jit3A_319 = arith.constant 0.000000e+00 : f32
      %broadcast_in_dim3A_320 = vector.broadcast %jit3A_319 : f32 to vector<16x128xf32>
      %select_n3A = arith.select %and3A_318, %broadcast_in_dim3A_320, %scan3A_256 : vector<16x128xi1>, vector<16x128xf32>
      scf.yield %select_n3A : vector<16x128xf32>
    }
    %scan3A_111 = arith.constant 128 : i32
    %slice3A_112 = vector.extract_strided_slice %sub3A_55 {offsets = [2, 0], sizes = [1, 128], strides = [1, 1]} : vector<16x128xf32> to vector<1x128xf32>
    %slice3A_113 = vector.extract_strided_slice %sub3A_59 {offsets = [2, 0], sizes = [1, 128], strides = [1, 1]} : vector<16x128xf32> to vector<1x128xf32>
    %slice3A_114 = vector.extract_strided_slice %add3A_63 {offsets = [2, 0], sizes = [1, 128], strides = [1, 1]} : vector<16x128xf32> to vector<1x128xf32>
    %slice3A_115 = vector.extract_strided_slice %add3A_67 {offsets = [2, 0], sizes = [1, 128], strides = [1, 1]} : vector<16x128xf32> to vector<1x128xf32>
    %scan3A_116 = arith.constant 0 : i32
    %scan3A_117 = arith.constant 128 : i32
    %scan3A_118 = arith.addi %scan3A_116, %scan3A_117 : i32
    %scan3A_119 = arith.constant 1 : i32
    %scan3A_120 = scf.for %scan3A_255 = %scan3A_116 to %scan3A_118 step %scan3A_119 iter_args(%scan3A_256 = %scan3A_110) -> (vector<16x128xf32>)  : i32 {
      %neg3A = arith.constant 0 : i32
      %neg3A_257 = arith.subi %neg3A, %scan3A_255 : i32
      %roll3A = tpu.dynamic_rotate %slice3A_112 by %neg3A_257 dim 1 : vector<1x128xf32>, i32 -> vector<1x128xf32>
      %slice3A_258 = vector.extract_strided_slice %roll3A {offsets = [0, 0], sizes = [1, 1], strides = [1, 1]} : vector<1x128xf32> to vector<1x1xf32>
      %neg3A_259 = arith.constant 0 : i32
      %neg3A_260 = arith.subi %neg3A_259, %scan3A_255 : i32
      %roll3A_261 = tpu.dynamic_rotate %slice3A_113 by %neg3A_260 dim 1 : vector<1x128xf32>, i32 -> vector<1x128xf32>
      %slice3A_262 = vector.extract_strided_slice %roll3A_261 {offsets = [0, 0], sizes = [1, 1], strides = [1, 1]} : vector<1x128xf32> to vector<1x1xf32>
      %neg3A_263 = arith.constant 0 : i32
      %neg3A_264 = arith.subi %neg3A_263, %scan3A_255 : i32
      %roll3A_265 = tpu.dynamic_rotate %slice3A_114 by %neg3A_264 dim 1 : vector<1x128xf32>, i32 -> vector<1x128xf32>
      %slice3A_266 = vector.extract_strided_slice %roll3A_265 {offsets = [0, 0], sizes = [1, 1], strides = [1, 1]} : vector<1x128xf32> to vector<1x1xf32>
      %neg3A_267 = arith.constant 0 : i32
      %neg3A_268 = arith.subi %neg3A_267, %scan3A_255 : i32
      %roll3A_269 = tpu.dynamic_rotate %slice3A_115 by %neg3A_268 dim 1 : vector<1x128xf32>, i32 -> vector<1x128xf32>
      %slice3A_270 = vector.extract_strided_slice %roll3A_269 {offsets = [0, 0], sizes = [1, 1], strides = [1, 1]} : vector<1x128xf32> to vector<1x1xf32>
      %slice3A_271 = vector.extract_strided_slice %scan3A_256 {offsets = [2, 0], sizes = [1, 128], strides = [1, 1]} : vector<16x128xf32> to vector<1x128xf32>
      %neg3A_272 = arith.constant 0 : i32
      %neg3A_273 = arith.subi %neg3A_272, %scan3A_255 : i32
      %roll3A_274 = tpu.dynamic_rotate %slice3A_271 by %neg3A_273 dim 1 : vector<1x128xf32>, i32 -> vector<1x128xf32>
      %slice3A_275 = vector.extract_strided_slice %roll3A_274 {offsets = [0, 0], sizes = [1, 1], strides = [1, 1]} : vector<1x128xf32> to vector<1x1xf32>
      %sub3A_276 = arith.subf %slice3A_266, %slice3A_258 : vector<1x1xf32>
      %max3A_277 = arith.constant 0.000000e+00 : f32
      %max3A_278 = vector.broadcast %max3A_277 : f32 to vector<1x1xf32>
      %max3A_279 = arith.maximumf %sub3A_276, %max3A_278 : vector<1x1xf32>
      %sub3A_280 = arith.subf %slice3A_270, %slice3A_262 : vector<1x1xf32>
      %max3A_281 = arith.constant 0.000000e+00 : f32
      %max3A_282 = vector.broadcast %max3A_281 : f32 to vector<1x1xf32>
      %max3A_283 = arith.maximumf %sub3A_280, %max3A_282 : vector<1x1xf32>
      %mul3A_284 = arith.mulf %max3A_279, %max3A_283 : vector<1x1xf32>
      %max3A_285 = vector.broadcast %slice3A_258 : vector<1x1xf32> to vector<16x128xf32>
      %max3A_286 = arith.maximumf %max3A_285, %sub3A_55 : vector<16x128xf32>
      %max3A_287 = vector.broadcast %slice3A_262 : vector<1x1xf32> to vector<16x128xf32>
      %max3A_288 = arith.maximumf %max3A_287, %sub3A_59 : vector<16x128xf32>
      %min3A_289 = vector.broadcast %slice3A_266 : vector<1x1xf32> to vector<16x128xf32>
      %min3A_290 = arith.minimumf %min3A_289, %add3A_63 : vector<16x128xf32>
      %min3A_291 = vector.broadcast %slice3A_270 : vector<1x1xf32> to vector<16x128xf32>
      %min3A_292 = arith.minimumf %min3A_291, %add3A_67 : vector<16x128xf32>
      %sub3A_293 = arith.subf %min3A_290, %max3A_286 : vector<16x128xf32>
      %max3A_294 = arith.constant 0.000000e+00 : f32
      %max3A_295 = vector.broadcast %max3A_294 : f32 to vector<16x128xf32>
      %max3A_296 = arith.maximumf %sub3A_293, %max3A_295 : vector<16x128xf32>
      %sub3A_297 = arith.subf %min3A_292, %max3A_288 : vector<16x128xf32>
      %max3A_298 = arith.constant 0.000000e+00 : f32
      %max3A_299 = vector.broadcast %max3A_298 : f32 to vector<16x128xf32>
      %max3A_300 = arith.maximumf %sub3A_297, %max3A_299 : vector<16x128xf32>
      %mul3A_301 = arith.mulf %max3A_296, %max3A_300 : vector<16x128xf32>
      %add3A_302 = vector.broadcast %mul3A_284 : vector<1x1xf32> to vector<16x128xf32>
      %add3A_303 = arith.addf %add3A_302, %mul3A_87 : vector<16x128xf32>
      %sub3A_304 = arith.subf %add3A_303, %mul3A_301 : vector<16x128xf32>
      %add3A_305 = arith.constant 9.99999993E-9 : f32
      %add3A_306 = vector.broadcast %add3A_305 : f32 to vector<16x128xf32>
      %add3A_307 = arith.addf %sub3A_304, %add3A_306 : vector<16x128xf32>
      %div3A = arith.divf %mul3A_301, %add3A_307 : vector<16x128xf32>
      %gt3A = arith.constant 0.699999988 : f32
      %gt3A_308 = vector.broadcast %gt3A : f32 to vector<16x128xf32>
      %gt3A_309 = arith.cmpf ogt, %div3A, %gt3A_308 : vector<16x128xf32>
      %add3A_310 = arith.constant 256 : i32
      %add3A_311 = arith.addi %add3A_310, %scan3A_255 : i32
      %gt3A_312 = vector.broadcast %add3A_311 : i32 to vector<16x128xi32>
      %gt3A_313 = arith.cmpi sgt, %add3A_92, %gt3A_312 : vector<16x128xi32>
      %and3A = arith.andi %gt3A_309, %gt3A_313 : vector<16x128xi1>
      %gt3A_314 = arith.constant 5.000000e-01 : f32
      %gt3A_315 = vector.broadcast %gt3A_314 : f32 to vector<1x1xf32>
      %gt3A_316 = arith.cmpf ogt, %slice3A_275, %gt3A_315 : vector<1x1xf32>
      %and3A_317 = vector.broadcast %gt3A_316 : vector<1x1xi1> to vector<16x128xi1>
      %and3A_318 = arith.andi %and3A, %and3A_317 : vector<16x128xi1>
      %jit3A_319 = arith.constant 0.000000e+00 : f32
      %broadcast_in_dim3A_320 = vector.broadcast %jit3A_319 : f32 to vector<16x128xf32>
      %select_n3A = arith.select %and3A_318, %broadcast_in_dim3A_320, %scan3A_256 : vector<16x128xi1>, vector<16x128xf32>
      scf.yield %select_n3A : vector<16x128xf32>
    }
    %scan3A_121 = arith.constant 128 : i32
    %slice3A_122 = vector.extract_strided_slice %sub3A_55 {offsets = [3, 0], sizes = [1, 128], strides = [1, 1]} : vector<16x128xf32> to vector<1x128xf32>
    %slice3A_123 = vector.extract_strided_slice %sub3A_59 {offsets = [3, 0], sizes = [1, 128], strides = [1, 1]} : vector<16x128xf32> to vector<1x128xf32>
    %slice3A_124 = vector.extract_strided_slice %add3A_63 {offsets = [3, 0], sizes = [1, 128], strides = [1, 1]} : vector<16x128xf32> to vector<1x128xf32>
    %slice3A_125 = vector.extract_strided_slice %add3A_67 {offsets = [3, 0], sizes = [1, 128], strides = [1, 1]} : vector<16x128xf32> to vector<1x128xf32>
    %scan3A_126 = arith.constant 0 : i32
    %scan3A_127 = arith.constant 128 : i32
    %scan3A_128 = arith.addi %scan3A_126, %scan3A_127 : i32
    %scan3A_129 = arith.constant 1 : i32
    %scan3A_130 = scf.for %scan3A_255 = %scan3A_126 to %scan3A_128 step %scan3A_129 iter_args(%scan3A_256 = %scan3A_120) -> (vector<16x128xf32>)  : i32 {
      %neg3A = arith.constant 0 : i32
      %neg3A_257 = arith.subi %neg3A, %scan3A_255 : i32
      %roll3A = tpu.dynamic_rotate %slice3A_122 by %neg3A_257 dim 1 : vector<1x128xf32>, i32 -> vector<1x128xf32>
      %slice3A_258 = vector.extract_strided_slice %roll3A {offsets = [0, 0], sizes = [1, 1], strides = [1, 1]} : vector<1x128xf32> to vector<1x1xf32>
      %neg3A_259 = arith.constant 0 : i32
      %neg3A_260 = arith.subi %neg3A_259, %scan3A_255 : i32
      %roll3A_261 = tpu.dynamic_rotate %slice3A_123 by %neg3A_260 dim 1 : vector<1x128xf32>, i32 -> vector<1x128xf32>
      %slice3A_262 = vector.extract_strided_slice %roll3A_261 {offsets = [0, 0], sizes = [1, 1], strides = [1, 1]} : vector<1x128xf32> to vector<1x1xf32>
      %neg3A_263 = arith.constant 0 : i32
      %neg3A_264 = arith.subi %neg3A_263, %scan3A_255 : i32
      %roll3A_265 = tpu.dynamic_rotate %slice3A_124 by %neg3A_264 dim 1 : vector<1x128xf32>, i32 -> vector<1x128xf32>
      %slice3A_266 = vector.extract_strided_slice %roll3A_265 {offsets = [0, 0], sizes = [1, 1], strides = [1, 1]} : vector<1x128xf32> to vector<1x1xf32>
      %neg3A_267 = arith.constant 0 : i32
      %neg3A_268 = arith.subi %neg3A_267, %scan3A_255 : i32
      %roll3A_269 = tpu.dynamic_rotate %slice3A_125 by %neg3A_268 dim 1 : vector<1x128xf32>, i32 -> vector<1x128xf32>
      %slice3A_270 = vector.extract_strided_slice %roll3A_269 {offsets = [0, 0], sizes = [1, 1], strides = [1, 1]} : vector<1x128xf32> to vector<1x1xf32>
      %slice3A_271 = vector.extract_strided_slice %scan3A_256 {offsets = [3, 0], sizes = [1, 128], strides = [1, 1]} : vector<16x128xf32> to vector<1x128xf32>
      %neg3A_272 = arith.constant 0 : i32
      %neg3A_273 = arith.subi %neg3A_272, %scan3A_255 : i32
      %roll3A_274 = tpu.dynamic_rotate %slice3A_271 by %neg3A_273 dim 1 : vector<1x128xf32>, i32 -> vector<1x128xf32>
      %slice3A_275 = vector.extract_strided_slice %roll3A_274 {offsets = [0, 0], sizes = [1, 1], strides = [1, 1]} : vector<1x128xf32> to vector<1x1xf32>
      %sub3A_276 = arith.subf %slice3A_266, %slice3A_258 : vector<1x1xf32>
      %max3A_277 = arith.constant 0.000000e+00 : f32
      %max3A_278 = vector.broadcast %max3A_277 : f32 to vector<1x1xf32>
      %max3A_279 = arith.maximumf %sub3A_276, %max3A_278 : vector<1x1xf32>
      %sub3A_280 = arith.subf %slice3A_270, %slice3A_262 : vector<1x1xf32>
      %max3A_281 = arith.constant 0.000000e+00 : f32
      %max3A_282 = vector.broadcast %max3A_281 : f32 to vector<1x1xf32>
      %max3A_283 = arith.maximumf %sub3A_280, %max3A_282 : vector<1x1xf32>
      %mul3A_284 = arith.mulf %max3A_279, %max3A_283 : vector<1x1xf32>
      %max3A_285 = vector.broadcast %slice3A_258 : vector<1x1xf32> to vector<16x128xf32>
      %max3A_286 = arith.maximumf %max3A_285, %sub3A_55 : vector<16x128xf32>
      %max3A_287 = vector.broadcast %slice3A_262 : vector<1x1xf32> to vector<16x128xf32>
      %max3A_288 = arith.maximumf %max3A_287, %sub3A_59 : vector<16x128xf32>
      %min3A_289 = vector.broadcast %slice3A_266 : vector<1x1xf32> to vector<16x128xf32>
      %min3A_290 = arith.minimumf %min3A_289, %add3A_63 : vector<16x128xf32>
      %min3A_291 = vector.broadcast %slice3A_270 : vector<1x1xf32> to vector<16x128xf32>
      %min3A_292 = arith.minimumf %min3A_291, %add3A_67 : vector<16x128xf32>
      %sub3A_293 = arith.subf %min3A_290, %max3A_286 : vector<16x128xf32>
      %max3A_294 = arith.constant 0.000000e+00 : f32
      %max3A_295 = vector.broadcast %max3A_294 : f32 to vector<16x128xf32>
      %max3A_296 = arith.maximumf %sub3A_293, %max3A_295 : vector<16x128xf32>
      %sub3A_297 = arith.subf %min3A_292, %max3A_288 : vector<16x128xf32>
      %max3A_298 = arith.constant 0.000000e+00 : f32
      %max3A_299 = vector.broadcast %max3A_298 : f32 to vector<16x128xf32>
      %max3A_300 = arith.maximumf %sub3A_297, %max3A_299 : vector<16x128xf32>
      %mul3A_301 = arith.mulf %max3A_296, %max3A_300 : vector<16x128xf32>
      %add3A_302 = vector.broadcast %mul3A_284 : vector<1x1xf32> to vector<16x128xf32>
      %add3A_303 = arith.addf %add3A_302, %mul3A_87 : vector<16x128xf32>
      %sub3A_304 = arith.subf %add3A_303, %mul3A_301 : vector<16x128xf32>
      %add3A_305 = arith.constant 9.99999993E-9 : f32
      %add3A_306 = vector.broadcast %add3A_305 : f32 to vector<16x128xf32>
      %add3A_307 = arith.addf %sub3A_304, %add3A_306 : vector<16x128xf32>
      %div3A = arith.divf %mul3A_301, %add3A_307 : vector<16x128xf32>
      %gt3A = arith.constant 0.699999988 : f32
      %gt3A_308 = vector.broadcast %gt3A : f32 to vector<16x128xf32>
      %gt3A_309 = arith.cmpf ogt, %div3A, %gt3A_308 : vector<16x128xf32>
      %add3A_310 = arith.constant 384 : i32
      %add3A_311 = arith.addi %add3A_310, %scan3A_255 : i32
      %gt3A_312 = vector.broadcast %add3A_311 : i32 to vector<16x128xi32>
      %gt3A_313 = arith.cmpi sgt, %add3A_92, %gt3A_312 : vector<16x128xi32>
      %and3A = arith.andi %gt3A_309, %gt3A_313 : vector<16x128xi1>
      %gt3A_314 = arith.constant 5.000000e-01 : f32
      %gt3A_315 = vector.broadcast %gt3A_314 : f32 to vector<1x1xf32>
      %gt3A_316 = arith.cmpf ogt, %slice3A_275, %gt3A_315 : vector<1x1xf32>
      %and3A_317 = vector.broadcast %gt3A_316 : vector<1x1xi1> to vector<16x128xi1>
      %and3A_318 = arith.andi %and3A, %and3A_317 : vector<16x128xi1>
      %jit3A_319 = arith.constant 0.000000e+00 : f32
      %broadcast_in_dim3A_320 = vector.broadcast %jit3A_319 : f32 to vector<16x128xf32>
      %select_n3A = arith.select %and3A_318, %broadcast_in_dim3A_320, %scan3A_256 : vector<16x128xi1>, vector<16x128xf32>
      scf.yield %select_n3A : vector<16x128xf32>
    }
    %scan3A_131 = arith.constant 128 : i32
    %slice3A_132 = vector.extract_strided_slice %sub3A_55 {offsets = [4, 0], sizes = [1, 128], strides = [1, 1]} : vector<16x128xf32> to vector<1x128xf32>
    %slice3A_133 = vector.extract_strided_slice %sub3A_59 {offsets = [4, 0], sizes = [1, 128], strides = [1, 1]} : vector<16x128xf32> to vector<1x128xf32>
    %slice3A_134 = vector.extract_strided_slice %add3A_63 {offsets = [4, 0], sizes = [1, 128], strides = [1, 1]} : vector<16x128xf32> to vector<1x128xf32>
    %slice3A_135 = vector.extract_strided_slice %add3A_67 {offsets = [4, 0], sizes = [1, 128], strides = [1, 1]} : vector<16x128xf32> to vector<1x128xf32>
    %scan3A_136 = arith.constant 0 : i32
    %scan3A_137 = arith.constant 128 : i32
    %scan3A_138 = arith.addi %scan3A_136, %scan3A_137 : i32
    %scan3A_139 = arith.constant 1 : i32
    %scan3A_140 = scf.for %scan3A_255 = %scan3A_136 to %scan3A_138 step %scan3A_139 iter_args(%scan3A_256 = %scan3A_130) -> (vector<16x128xf32>)  : i32 {
      %neg3A = arith.constant 0 : i32
      %neg3A_257 = arith.subi %neg3A, %scan3A_255 : i32
      %roll3A = tpu.dynamic_rotate %slice3A_132 by %neg3A_257 dim 1 : vector<1x128xf32>, i32 -> vector<1x128xf32>
      %slice3A_258 = vector.extract_strided_slice %roll3A {offsets = [0, 0], sizes = [1, 1], strides = [1, 1]} : vector<1x128xf32> to vector<1x1xf32>
      %neg3A_259 = arith.constant 0 : i32
      %neg3A_260 = arith.subi %neg3A_259, %scan3A_255 : i32
      %roll3A_261 = tpu.dynamic_rotate %slice3A_133 by %neg3A_260 dim 1 : vector<1x128xf32>, i32 -> vector<1x128xf32>
      %slice3A_262 = vector.extract_strided_slice %roll3A_261 {offsets = [0, 0], sizes = [1, 1], strides = [1, 1]} : vector<1x128xf32> to vector<1x1xf32>
      %neg3A_263 = arith.constant 0 : i32
      %neg3A_264 = arith.subi %neg3A_263, %scan3A_255 : i32
      %roll3A_265 = tpu.dynamic_rotate %slice3A_134 by %neg3A_264 dim 1 : vector<1x128xf32>, i32 -> vector<1x128xf32>
      %slice3A_266 = vector.extract_strided_slice %roll3A_265 {offsets = [0, 0], sizes = [1, 1], strides = [1, 1]} : vector<1x128xf32> to vector<1x1xf32>
      %neg3A_267 = arith.constant 0 : i32
      %neg3A_268 = arith.subi %neg3A_267, %scan3A_255 : i32
      %roll3A_269 = tpu.dynamic_rotate %slice3A_135 by %neg3A_268 dim 1 : vector<1x128xf32>, i32 -> vector<1x128xf32>
      %slice3A_270 = vector.extract_strided_slice %roll3A_269 {offsets = [0, 0], sizes = [1, 1], strides = [1, 1]} : vector<1x128xf32> to vector<1x1xf32>
      %slice3A_271 = vector.extract_strided_slice %scan3A_256 {offsets = [4, 0], sizes = [1, 128], strides = [1, 1]} : vector<16x128xf32> to vector<1x128xf32>
      %neg3A_272 = arith.constant 0 : i32
      %neg3A_273 = arith.subi %neg3A_272, %scan3A_255 : i32
      %roll3A_274 = tpu.dynamic_rotate %slice3A_271 by %neg3A_273 dim 1 : vector<1x128xf32>, i32 -> vector<1x128xf32>
      %slice3A_275 = vector.extract_strided_slice %roll3A_274 {offsets = [0, 0], sizes = [1, 1], strides = [1, 1]} : vector<1x128xf32> to vector<1x1xf32>
      %sub3A_276 = arith.subf %slice3A_266, %slice3A_258 : vector<1x1xf32>
      %max3A_277 = arith.constant 0.000000e+00 : f32
      %max3A_278 = vector.broadcast %max3A_277 : f32 to vector<1x1xf32>
      %max3A_279 = arith.maximumf %sub3A_276, %max3A_278 : vector<1x1xf32>
      %sub3A_280 = arith.subf %slice3A_270, %slice3A_262 : vector<1x1xf32>
      %max3A_281 = arith.constant 0.000000e+00 : f32
      %max3A_282 = vector.broadcast %max3A_281 : f32 to vector<1x1xf32>
      %max3A_283 = arith.maximumf %sub3A_280, %max3A_282 : vector<1x1xf32>
      %mul3A_284 = arith.mulf %max3A_279, %max3A_283 : vector<1x1xf32>
      %max3A_285 = vector.broadcast %slice3A_258 : vector<1x1xf32> to vector<16x128xf32>
      %max3A_286 = arith.maximumf %max3A_285, %sub3A_55 : vector<16x128xf32>
      %max3A_287 = vector.broadcast %slice3A_262 : vector<1x1xf32> to vector<16x128xf32>
      %max3A_288 = arith.maximumf %max3A_287, %sub3A_59 : vector<16x128xf32>
      %min3A_289 = vector.broadcast %slice3A_266 : vector<1x1xf32> to vector<16x128xf32>
      %min3A_290 = arith.minimumf %min3A_289, %add3A_63 : vector<16x128xf32>
      %min3A_291 = vector.broadcast %slice3A_270 : vector<1x1xf32> to vector<16x128xf32>
      %min3A_292 = arith.minimumf %min3A_291, %add3A_67 : vector<16x128xf32>
      %sub3A_293 = arith.subf %min3A_290, %max3A_286 : vector<16x128xf32>
      %max3A_294 = arith.constant 0.000000e+00 : f32
      %max3A_295 = vector.broadcast %max3A_294 : f32 to vector<16x128xf32>
      %max3A_296 = arith.maximumf %sub3A_293, %max3A_295 : vector<16x128xf32>
      %sub3A_297 = arith.subf %min3A_292, %max3A_288 : vector<16x128xf32>
      %max3A_298 = arith.constant 0.000000e+00 : f32
      %max3A_299 = vector.broadcast %max3A_298 : f32 to vector<16x128xf32>
      %max3A_300 = arith.maximumf %sub3A_297, %max3A_299 : vector<16x128xf32>
      %mul3A_301 = arith.mulf %max3A_296, %max3A_300 : vector<16x128xf32>
      %add3A_302 = vector.broadcast %mul3A_284 : vector<1x1xf32> to vector<16x128xf32>
      %add3A_303 = arith.addf %add3A_302, %mul3A_87 : vector<16x128xf32>
      %sub3A_304 = arith.subf %add3A_303, %mul3A_301 : vector<16x128xf32>
      %add3A_305 = arith.constant 9.99999993E-9 : f32
      %add3A_306 = vector.broadcast %add3A_305 : f32 to vector<16x128xf32>
      %add3A_307 = arith.addf %sub3A_304, %add3A_306 : vector<16x128xf32>
      %div3A = arith.divf %mul3A_301, %add3A_307 : vector<16x128xf32>
      %gt3A = arith.constant 0.699999988 : f32
      %gt3A_308 = vector.broadcast %gt3A : f32 to vector<16x128xf32>
      %gt3A_309 = arith.cmpf ogt, %div3A, %gt3A_308 : vector<16x128xf32>
      %add3A_310 = arith.constant 512 : i32
      %add3A_311 = arith.addi %add3A_310, %scan3A_255 : i32
      %gt3A_312 = vector.broadcast %add3A_311 : i32 to vector<16x128xi32>
      %gt3A_313 = arith.cmpi sgt, %add3A_92, %gt3A_312 : vector<16x128xi32>
      %and3A = arith.andi %gt3A_309, %gt3A_313 : vector<16x128xi1>
      %gt3A_314 = arith.constant 5.000000e-01 : f32
      %gt3A_315 = vector.broadcast %gt3A_314 : f32 to vector<1x1xf32>
      %gt3A_316 = arith.cmpf ogt, %slice3A_275, %gt3A_315 : vector<1x1xf32>
      %and3A_317 = vector.broadcast %gt3A_316 : vector<1x1xi1> to vector<16x128xi1>
      %and3A_318 = arith.andi %and3A, %and3A_317 : vector<16x128xi1>
      %jit3A_319 = arith.constant 0.000000e+00 : f32
      %broadcast_in_dim3A_320 = vector.broadcast %jit3A_319 : f32 to vector<16x128xf32>
      %select_n3A = arith.select %and3A_318, %broadcast_in_dim3A_320, %scan3A_256 : vector<16x128xi1>, vector<16x128xf32>
      scf.yield %select_n3A : vector<16x128xf32>
    }
    %scan3A_141 = arith.constant 128 : i32
    %slice3A_142 = vector.extract_strided_slice %sub3A_55 {offsets = [5, 0], sizes = [1, 128], strides = [1, 1]} : vector<16x128xf32> to vector<1x128xf32>
    %slice3A_143 = vector.extract_strided_slice %sub3A_59 {offsets = [5, 0], sizes = [1, 128], strides = [1, 1]} : vector<16x128xf32> to vector<1x128xf32>
    %slice3A_144 = vector.extract_strided_slice %add3A_63 {offsets = [5, 0], sizes = [1, 128], strides = [1, 1]} : vector<16x128xf32> to vector<1x128xf32>
    %slice3A_145 = vector.extract_strided_slice %add3A_67 {offsets = [5, 0], sizes = [1, 128], strides = [1, 1]} : vector<16x128xf32> to vector<1x128xf32>
    %scan3A_146 = arith.constant 0 : i32
    %scan3A_147 = arith.constant 128 : i32
    %scan3A_148 = arith.addi %scan3A_146, %scan3A_147 : i32
    %scan3A_149 = arith.constant 1 : i32
    %scan3A_150 = scf.for %scan3A_255 = %scan3A_146 to %scan3A_148 step %scan3A_149 iter_args(%scan3A_256 = %scan3A_140) -> (vector<16x128xf32>)  : i32 {
      %neg3A = arith.constant 0 : i32
      %neg3A_257 = arith.subi %neg3A, %scan3A_255 : i32
      %roll3A = tpu.dynamic_rotate %slice3A_142 by %neg3A_257 dim 1 : vector<1x128xf32>, i32 -> vector<1x128xf32>
      %slice3A_258 = vector.extract_strided_slice %roll3A {offsets = [0, 0], sizes = [1, 1], strides = [1, 1]} : vector<1x128xf32> to vector<1x1xf32>
      %neg3A_259 = arith.constant 0 : i32
      %neg3A_260 = arith.subi %neg3A_259, %scan3A_255 : i32
      %roll3A_261 = tpu.dynamic_rotate %slice3A_143 by %neg3A_260 dim 1 : vector<1x128xf32>, i32 -> vector<1x128xf32>
      %slice3A_262 = vector.extract_strided_slice %roll3A_261 {offsets = [0, 0], sizes = [1, 1], strides = [1, 1]} : vector<1x128xf32> to vector<1x1xf32>
      %neg3A_263 = arith.constant 0 : i32
      %neg3A_264 = arith.subi %neg3A_263, %scan3A_255 : i32
      %roll3A_265 = tpu.dynamic_rotate %slice3A_144 by %neg3A_264 dim 1 : vector<1x128xf32>, i32 -> vector<1x128xf32>
      %slice3A_266 = vector.extract_strided_slice %roll3A_265 {offsets = [0, 0], sizes = [1, 1], strides = [1, 1]} : vector<1x128xf32> to vector<1x1xf32>
      %neg3A_267 = arith.constant 0 : i32
      %neg3A_268 = arith.subi %neg3A_267, %scan3A_255 : i32
      %roll3A_269 = tpu.dynamic_rotate %slice3A_145 by %neg3A_268 dim 1 : vector<1x128xf32>, i32 -> vector<1x128xf32>
      %slice3A_270 = vector.extract_strided_slice %roll3A_269 {offsets = [0, 0], sizes = [1, 1], strides = [1, 1]} : vector<1x128xf32> to vector<1x1xf32>
      %slice3A_271 = vector.extract_strided_slice %scan3A_256 {offsets = [5, 0], sizes = [1, 128], strides = [1, 1]} : vector<16x128xf32> to vector<1x128xf32>
      %neg3A_272 = arith.constant 0 : i32
      %neg3A_273 = arith.subi %neg3A_272, %scan3A_255 : i32
      %roll3A_274 = tpu.dynamic_rotate %slice3A_271 by %neg3A_273 dim 1 : vector<1x128xf32>, i32 -> vector<1x128xf32>
      %slice3A_275 = vector.extract_strided_slice %roll3A_274 {offsets = [0, 0], sizes = [1, 1], strides = [1, 1]} : vector<1x128xf32> to vector<1x1xf32>
      %sub3A_276 = arith.subf %slice3A_266, %slice3A_258 : vector<1x1xf32>
      %max3A_277 = arith.constant 0.000000e+00 : f32
      %max3A_278 = vector.broadcast %max3A_277 : f32 to vector<1x1xf32>
      %max3A_279 = arith.maximumf %sub3A_276, %max3A_278 : vector<1x1xf32>
      %sub3A_280 = arith.subf %slice3A_270, %slice3A_262 : vector<1x1xf32>
      %max3A_281 = arith.constant 0.000000e+00 : f32
      %max3A_282 = vector.broadcast %max3A_281 : f32 to vector<1x1xf32>
      %max3A_283 = arith.maximumf %sub3A_280, %max3A_282 : vector<1x1xf32>
      %mul3A_284 = arith.mulf %max3A_279, %max3A_283 : vector<1x1xf32>
      %max3A_285 = vector.broadcast %slice3A_258 : vector<1x1xf32> to vector<16x128xf32>
      %max3A_286 = arith.maximumf %max3A_285, %sub3A_55 : vector<16x128xf32>
      %max3A_287 = vector.broadcast %slice3A_262 : vector<1x1xf32> to vector<16x128xf32>
      %max3A_288 = arith.maximumf %max3A_287, %sub3A_59 : vector<16x128xf32>
      %min3A_289 = vector.broadcast %slice3A_266 : vector<1x1xf32> to vector<16x128xf32>
      %min3A_290 = arith.minimumf %min3A_289, %add3A_63 : vector<16x128xf32>
      %min3A_291 = vector.broadcast %slice3A_270 : vector<1x1xf32> to vector<16x128xf32>
      %min3A_292 = arith.minimumf %min3A_291, %add3A_67 : vector<16x128xf32>
      %sub3A_293 = arith.subf %min3A_290, %max3A_286 : vector<16x128xf32>
      %max3A_294 = arith.constant 0.000000e+00 : f32
      %max3A_295 = vector.broadcast %max3A_294 : f32 to vector<16x128xf32>
      %max3A_296 = arith.maximumf %sub3A_293, %max3A_295 : vector<16x128xf32>
      %sub3A_297 = arith.subf %min3A_292, %max3A_288 : vector<16x128xf32>
      %max3A_298 = arith.constant 0.000000e+00 : f32
      %max3A_299 = vector.broadcast %max3A_298 : f32 to vector<16x128xf32>
      %max3A_300 = arith.maximumf %sub3A_297, %max3A_299 : vector<16x128xf32>
      %mul3A_301 = arith.mulf %max3A_296, %max3A_300 : vector<16x128xf32>
      %add3A_302 = vector.broadcast %mul3A_284 : vector<1x1xf32> to vector<16x128xf32>
      %add3A_303 = arith.addf %add3A_302, %mul3A_87 : vector<16x128xf32>
      %sub3A_304 = arith.subf %add3A_303, %mul3A_301 : vector<16x128xf32>
      %add3A_305 = arith.constant 9.99999993E-9 : f32
      %add3A_306 = vector.broadcast %add3A_305 : f32 to vector<16x128xf32>
      %add3A_307 = arith.addf %sub3A_304, %add3A_306 : vector<16x128xf32>
      %div3A = arith.divf %mul3A_301, %add3A_307 : vector<16x128xf32>
      %gt3A = arith.constant 0.699999988 : f32
      %gt3A_308 = vector.broadcast %gt3A : f32 to vector<16x128xf32>
      %gt3A_309 = arith.cmpf ogt, %div3A, %gt3A_308 : vector<16x128xf32>
      %add3A_310 = arith.constant 640 : i32
      %add3A_311 = arith.addi %add3A_310, %scan3A_255 : i32
      %gt3A_312 = vector.broadcast %add3A_311 : i32 to vector<16x128xi32>
      %gt3A_313 = arith.cmpi sgt, %add3A_92, %gt3A_312 : vector<16x128xi32>
      %and3A = arith.andi %gt3A_309, %gt3A_313 : vector<16x128xi1>
      %gt3A_314 = arith.constant 5.000000e-01 : f32
      %gt3A_315 = vector.broadcast %gt3A_314 : f32 to vector<1x1xf32>
      %gt3A_316 = arith.cmpf ogt, %slice3A_275, %gt3A_315 : vector<1x1xf32>
      %and3A_317 = vector.broadcast %gt3A_316 : vector<1x1xi1> to vector<16x128xi1>
      %and3A_318 = arith.andi %and3A, %and3A_317 : vector<16x128xi1>
      %jit3A_319 = arith.constant 0.000000e+00 : f32
      %broadcast_in_dim3A_320 = vector.broadcast %jit3A_319 : f32 to vector<16x128xf32>
      %select_n3A = arith.select %and3A_318, %broadcast_in_dim3A_320, %scan3A_256 : vector<16x128xi1>, vector<16x128xf32>
      scf.yield %select_n3A : vector<16x128xf32>
    }
    %scan3A_151 = arith.constant 128 : i32
    %slice3A_152 = vector.extract_strided_slice %sub3A_55 {offsets = [6, 0], sizes = [1, 128], strides = [1, 1]} : vector<16x128xf32> to vector<1x128xf32>
    %slice3A_153 = vector.extract_strided_slice %sub3A_59 {offsets = [6, 0], sizes = [1, 128], strides = [1, 1]} : vector<16x128xf32> to vector<1x128xf32>
    %slice3A_154 = vector.extract_strided_slice %add3A_63 {offsets = [6, 0], sizes = [1, 128], strides = [1, 1]} : vector<16x128xf32> to vector<1x128xf32>
    %slice3A_155 = vector.extract_strided_slice %add3A_67 {offsets = [6, 0], sizes = [1, 128], strides = [1, 1]} : vector<16x128xf32> to vector<1x128xf32>
    %scan3A_156 = arith.constant 0 : i32
    %scan3A_157 = arith.constant 128 : i32
    %scan3A_158 = arith.addi %scan3A_156, %scan3A_157 : i32
    %scan3A_159 = arith.constant 1 : i32
    %scan3A_160 = scf.for %scan3A_255 = %scan3A_156 to %scan3A_158 step %scan3A_159 iter_args(%scan3A_256 = %scan3A_150) -> (vector<16x128xf32>)  : i32 {
      %neg3A = arith.constant 0 : i32
      %neg3A_257 = arith.subi %neg3A, %scan3A_255 : i32
      %roll3A = tpu.dynamic_rotate %slice3A_152 by %neg3A_257 dim 1 : vector<1x128xf32>, i32 -> vector<1x128xf32>
      %slice3A_258 = vector.extract_strided_slice %roll3A {offsets = [0, 0], sizes = [1, 1], strides = [1, 1]} : vector<1x128xf32> to vector<1x1xf32>
      %neg3A_259 = arith.constant 0 : i32
      %neg3A_260 = arith.subi %neg3A_259, %scan3A_255 : i32
      %roll3A_261 = tpu.dynamic_rotate %slice3A_153 by %neg3A_260 dim 1 : vector<1x128xf32>, i32 -> vector<1x128xf32>
      %slice3A_262 = vector.extract_strided_slice %roll3A_261 {offsets = [0, 0], sizes = [1, 1], strides = [1, 1]} : vector<1x128xf32> to vector<1x1xf32>
      %neg3A_263 = arith.constant 0 : i32
      %neg3A_264 = arith.subi %neg3A_263, %scan3A_255 : i32
      %roll3A_265 = tpu.dynamic_rotate %slice3A_154 by %neg3A_264 dim 1 : vector<1x128xf32>, i32 -> vector<1x128xf32>
      %slice3A_266 = vector.extract_strided_slice %roll3A_265 {offsets = [0, 0], sizes = [1, 1], strides = [1, 1]} : vector<1x128xf32> to vector<1x1xf32>
      %neg3A_267 = arith.constant 0 : i32
      %neg3A_268 = arith.subi %neg3A_267, %scan3A_255 : i32
      %roll3A_269 = tpu.dynamic_rotate %slice3A_155 by %neg3A_268 dim 1 : vector<1x128xf32>, i32 -> vector<1x128xf32>
      %slice3A_270 = vector.extract_strided_slice %roll3A_269 {offsets = [0, 0], sizes = [1, 1], strides = [1, 1]} : vector<1x128xf32> to vector<1x1xf32>
      %slice3A_271 = vector.extract_strided_slice %scan3A_256 {offsets = [6, 0], sizes = [1, 128], strides = [1, 1]} : vector<16x128xf32> to vector<1x128xf32>
      %neg3A_272 = arith.constant 0 : i32
      %neg3A_273 = arith.subi %neg3A_272, %scan3A_255 : i32
      %roll3A_274 = tpu.dynamic_rotate %slice3A_271 by %neg3A_273 dim 1 : vector<1x128xf32>, i32 -> vector<1x128xf32>
      %slice3A_275 = vector.extract_strided_slice %roll3A_274 {offsets = [0, 0], sizes = [1, 1], strides = [1, 1]} : vector<1x128xf32> to vector<1x1xf32>
      %sub3A_276 = arith.subf %slice3A_266, %slice3A_258 : vector<1x1xf32>
      %max3A_277 = arith.constant 0.000000e+00 : f32
      %max3A_278 = vector.broadcast %max3A_277 : f32 to vector<1x1xf32>
      %max3A_279 = arith.maximumf %sub3A_276, %max3A_278 : vector<1x1xf32>
      %sub3A_280 = arith.subf %slice3A_270, %slice3A_262 : vector<1x1xf32>
      %max3A_281 = arith.constant 0.000000e+00 : f32
      %max3A_282 = vector.broadcast %max3A_281 : f32 to vector<1x1xf32>
      %max3A_283 = arith.maximumf %sub3A_280, %max3A_282 : vector<1x1xf32>
      %mul3A_284 = arith.mulf %max3A_279, %max3A_283 : vector<1x1xf32>
      %max3A_285 = vector.broadcast %slice3A_258 : vector<1x1xf32> to vector<16x128xf32>
      %max3A_286 = arith.maximumf %max3A_285, %sub3A_55 : vector<16x128xf32>
      %max3A_287 = vector.broadcast %slice3A_262 : vector<1x1xf32> to vector<16x128xf32>
      %max3A_288 = arith.maximumf %max3A_287, %sub3A_59 : vector<16x128xf32>
      %min3A_289 = vector.broadcast %slice3A_266 : vector<1x1xf32> to vector<16x128xf32>
      %min3A_290 = arith.minimumf %min3A_289, %add3A_63 : vector<16x128xf32>
      %min3A_291 = vector.broadcast %slice3A_270 : vector<1x1xf32> to vector<16x128xf32>
      %min3A_292 = arith.minimumf %min3A_291, %add3A_67 : vector<16x128xf32>
      %sub3A_293 = arith.subf %min3A_290, %max3A_286 : vector<16x128xf32>
      %max3A_294 = arith.constant 0.000000e+00 : f32
      %max3A_295 = vector.broadcast %max3A_294 : f32 to vector<16x128xf32>
      %max3A_296 = arith.maximumf %sub3A_293, %max3A_295 : vector<16x128xf32>
      %sub3A_297 = arith.subf %min3A_292, %max3A_288 : vector<16x128xf32>
      %max3A_298 = arith.constant 0.000000e+00 : f32
      %max3A_299 = vector.broadcast %max3A_298 : f32 to vector<16x128xf32>
      %max3A_300 = arith.maximumf %sub3A_297, %max3A_299 : vector<16x128xf32>
      %mul3A_301 = arith.mulf %max3A_296, %max3A_300 : vector<16x128xf32>
      %add3A_302 = vector.broadcast %mul3A_284 : vector<1x1xf32> to vector<16x128xf32>
      %add3A_303 = arith.addf %add3A_302, %mul3A_87 : vector<16x128xf32>
      %sub3A_304 = arith.subf %add3A_303, %mul3A_301 : vector<16x128xf32>
      %add3A_305 = arith.constant 9.99999993E-9 : f32
      %add3A_306 = vector.broadcast %add3A_305 : f32 to vector<16x128xf32>
      %add3A_307 = arith.addf %sub3A_304, %add3A_306 : vector<16x128xf32>
      %div3A = arith.divf %mul3A_301, %add3A_307 : vector<16x128xf32>
      %gt3A = arith.constant 0.699999988 : f32
      %gt3A_308 = vector.broadcast %gt3A : f32 to vector<16x128xf32>
      %gt3A_309 = arith.cmpf ogt, %div3A, %gt3A_308 : vector<16x128xf32>
      %add3A_310 = arith.constant 768 : i32
      %add3A_311 = arith.addi %add3A_310, %scan3A_255 : i32
      %gt3A_312 = vector.broadcast %add3A_311 : i32 to vector<16x128xi32>
      %gt3A_313 = arith.cmpi sgt, %add3A_92, %gt3A_312 : vector<16x128xi32>
      %and3A = arith.andi %gt3A_309, %gt3A_313 : vector<16x128xi1>
      %gt3A_314 = arith.constant 5.000000e-01 : f32
      %gt3A_315 = vector.broadcast %gt3A_314 : f32 to vector<1x1xf32>
      %gt3A_316 = arith.cmpf ogt, %slice3A_275, %gt3A_315 : vector<1x1xf32>
      %and3A_317 = vector.broadcast %gt3A_316 : vector<1x1xi1> to vector<16x128xi1>
      %and3A_318 = arith.andi %and3A, %and3A_317 : vector<16x128xi1>
      %jit3A_319 = arith.constant 0.000000e+00 : f32
      %broadcast_in_dim3A_320 = vector.broadcast %jit3A_319 : f32 to vector<16x128xf32>
      %select_n3A = arith.select %and3A_318, %broadcast_in_dim3A_320, %scan3A_256 : vector<16x128xi1>, vector<16x128xf32>
      scf.yield %select_n3A : vector<16x128xf32>
    }
    %scan3A_161 = arith.constant 128 : i32
    %slice3A_162 = vector.extract_strided_slice %sub3A_55 {offsets = [7, 0], sizes = [1, 128], strides = [1, 1]} : vector<16x128xf32> to vector<1x128xf32>
    %slice3A_163 = vector.extract_strided_slice %sub3A_59 {offsets = [7, 0], sizes = [1, 128], strides = [1, 1]} : vector<16x128xf32> to vector<1x128xf32>
    %slice3A_164 = vector.extract_strided_slice %add3A_63 {offsets = [7, 0], sizes = [1, 128], strides = [1, 1]} : vector<16x128xf32> to vector<1x128xf32>
    %slice3A_165 = vector.extract_strided_slice %add3A_67 {offsets = [7, 0], sizes = [1, 128], strides = [1, 1]} : vector<16x128xf32> to vector<1x128xf32>
    %scan3A_166 = arith.constant 0 : i32
    %scan3A_167 = arith.constant 128 : i32
    %scan3A_168 = arith.addi %scan3A_166, %scan3A_167 : i32
    %scan3A_169 = arith.constant 1 : i32
    %scan3A_170 = scf.for %scan3A_255 = %scan3A_166 to %scan3A_168 step %scan3A_169 iter_args(%scan3A_256 = %scan3A_160) -> (vector<16x128xf32>)  : i32 {
      %neg3A = arith.constant 0 : i32
      %neg3A_257 = arith.subi %neg3A, %scan3A_255 : i32
      %roll3A = tpu.dynamic_rotate %slice3A_162 by %neg3A_257 dim 1 : vector<1x128xf32>, i32 -> vector<1x128xf32>
      %slice3A_258 = vector.extract_strided_slice %roll3A {offsets = [0, 0], sizes = [1, 1], strides = [1, 1]} : vector<1x128xf32> to vector<1x1xf32>
      %neg3A_259 = arith.constant 0 : i32
      %neg3A_260 = arith.subi %neg3A_259, %scan3A_255 : i32
      %roll3A_261 = tpu.dynamic_rotate %slice3A_163 by %neg3A_260 dim 1 : vector<1x128xf32>, i32 -> vector<1x128xf32>
      %slice3A_262 = vector.extract_strided_slice %roll3A_261 {offsets = [0, 0], sizes = [1, 1], strides = [1, 1]} : vector<1x128xf32> to vector<1x1xf32>
      %neg3A_263 = arith.constant 0 : i32
      %neg3A_264 = arith.subi %neg3A_263, %scan3A_255 : i32
      %roll3A_265 = tpu.dynamic_rotate %slice3A_164 by %neg3A_264 dim 1 : vector<1x128xf32>, i32 -> vector<1x128xf32>
      %slice3A_266 = vector.extract_strided_slice %roll3A_265 {offsets = [0, 0], sizes = [1, 1], strides = [1, 1]} : vector<1x128xf32> to vector<1x1xf32>
      %neg3A_267 = arith.constant 0 : i32
      %neg3A_268 = arith.subi %neg3A_267, %scan3A_255 : i32
      %roll3A_269 = tpu.dynamic_rotate %slice3A_165 by %neg3A_268 dim 1 : vector<1x128xf32>, i32 -> vector<1x128xf32>
      %slice3A_270 = vector.extract_strided_slice %roll3A_269 {offsets = [0, 0], sizes = [1, 1], strides = [1, 1]} : vector<1x128xf32> to vector<1x1xf32>
      %slice3A_271 = vector.extract_strided_slice %scan3A_256 {offsets = [7, 0], sizes = [1, 128], strides = [1, 1]} : vector<16x128xf32> to vector<1x128xf32>
      %neg3A_272 = arith.constant 0 : i32
      %neg3A_273 = arith.subi %neg3A_272, %scan3A_255 : i32
      %roll3A_274 = tpu.dynamic_rotate %slice3A_271 by %neg3A_273 dim 1 : vector<1x128xf32>, i32 -> vector<1x128xf32>
      %slice3A_275 = vector.extract_strided_slice %roll3A_274 {offsets = [0, 0], sizes = [1, 1], strides = [1, 1]} : vector<1x128xf32> to vector<1x1xf32>
      %sub3A_276 = arith.subf %slice3A_266, %slice3A_258 : vector<1x1xf32>
      %max3A_277 = arith.constant 0.000000e+00 : f32
      %max3A_278 = vector.broadcast %max3A_277 : f32 to vector<1x1xf32>
      %max3A_279 = arith.maximumf %sub3A_276, %max3A_278 : vector<1x1xf32>
      %sub3A_280 = arith.subf %slice3A_270, %slice3A_262 : vector<1x1xf32>
      %max3A_281 = arith.constant 0.000000e+00 : f32
      %max3A_282 = vector.broadcast %max3A_281 : f32 to vector<1x1xf32>
      %max3A_283 = arith.maximumf %sub3A_280, %max3A_282 : vector<1x1xf32>
      %mul3A_284 = arith.mulf %max3A_279, %max3A_283 : vector<1x1xf32>
      %max3A_285 = vector.broadcast %slice3A_258 : vector<1x1xf32> to vector<16x128xf32>
      %max3A_286 = arith.maximumf %max3A_285, %sub3A_55 : vector<16x128xf32>
      %max3A_287 = vector.broadcast %slice3A_262 : vector<1x1xf32> to vector<16x128xf32>
      %max3A_288 = arith.maximumf %max3A_287, %sub3A_59 : vector<16x128xf32>
      %min3A_289 = vector.broadcast %slice3A_266 : vector<1x1xf32> to vector<16x128xf32>
      %min3A_290 = arith.minimumf %min3A_289, %add3A_63 : vector<16x128xf32>
      %min3A_291 = vector.broadcast %slice3A_270 : vector<1x1xf32> to vector<16x128xf32>
      %min3A_292 = arith.minimumf %min3A_291, %add3A_67 : vector<16x128xf32>
      %sub3A_293 = arith.subf %min3A_290, %max3A_286 : vector<16x128xf32>
      %max3A_294 = arith.constant 0.000000e+00 : f32
      %max3A_295 = vector.broadcast %max3A_294 : f32 to vector<16x128xf32>
      %max3A_296 = arith.maximumf %sub3A_293, %max3A_295 : vector<16x128xf32>
      %sub3A_297 = arith.subf %min3A_292, %max3A_288 : vector<16x128xf32>
      %max3A_298 = arith.constant 0.000000e+00 : f32
      %max3A_299 = vector.broadcast %max3A_298 : f32 to vector<16x128xf32>
      %max3A_300 = arith.maximumf %sub3A_297, %max3A_299 : vector<16x128xf32>
      %mul3A_301 = arith.mulf %max3A_296, %max3A_300 : vector<16x128xf32>
      %add3A_302 = vector.broadcast %mul3A_284 : vector<1x1xf32> to vector<16x128xf32>
      %add3A_303 = arith.addf %add3A_302, %mul3A_87 : vector<16x128xf32>
      %sub3A_304 = arith.subf %add3A_303, %mul3A_301 : vector<16x128xf32>
      %add3A_305 = arith.constant 9.99999993E-9 : f32
      %add3A_306 = vector.broadcast %add3A_305 : f32 to vector<16x128xf32>
      %add3A_307 = arith.addf %sub3A_304, %add3A_306 : vector<16x128xf32>
      %div3A = arith.divf %mul3A_301, %add3A_307 : vector<16x128xf32>
      %gt3A = arith.constant 0.699999988 : f32
      %gt3A_308 = vector.broadcast %gt3A : f32 to vector<16x128xf32>
      %gt3A_309 = arith.cmpf ogt, %div3A, %gt3A_308 : vector<16x128xf32>
      %add3A_310 = arith.constant 896 : i32
      %add3A_311 = arith.addi %add3A_310, %scan3A_255 : i32
      %gt3A_312 = vector.broadcast %add3A_311 : i32 to vector<16x128xi32>
      %gt3A_313 = arith.cmpi sgt, %add3A_92, %gt3A_312 : vector<16x128xi32>
      %and3A = arith.andi %gt3A_309, %gt3A_313 : vector<16x128xi1>
      %gt3A_314 = arith.constant 5.000000e-01 : f32
      %gt3A_315 = vector.broadcast %gt3A_314 : f32 to vector<1x1xf32>
      %gt3A_316 = arith.cmpf ogt, %slice3A_275, %gt3A_315 : vector<1x1xf32>
      %and3A_317 = vector.broadcast %gt3A_316 : vector<1x1xi1> to vector<16x128xi1>
      %and3A_318 = arith.andi %and3A, %and3A_317 : vector<16x128xi1>
      %jit3A_319 = arith.constant 0.000000e+00 : f32
      %broadcast_in_dim3A_320 = vector.broadcast %jit3A_319 : f32 to vector<16x128xf32>
      %select_n3A = arith.select %and3A_318, %broadcast_in_dim3A_320, %scan3A_256 : vector<16x128xi1>, vector<16x128xf32>
      scf.yield %select_n3A : vector<16x128xf32>
    }
    %scan3A_171 = arith.constant 128 : i32
    %slice3A_172 = vector.extract_strided_slice %sub3A_55 {offsets = [8, 0], sizes = [1, 128], strides = [1, 1]} : vector<16x128xf32> to vector<1x128xf32>
    %slice3A_173 = vector.extract_strided_slice %sub3A_59 {offsets = [8, 0], sizes = [1, 128], strides = [1, 1]} : vector<16x128xf32> to vector<1x128xf32>
    %slice3A_174 = vector.extract_strided_slice %add3A_63 {offsets = [8, 0], sizes = [1, 128], strides = [1, 1]} : vector<16x128xf32> to vector<1x128xf32>
    %slice3A_175 = vector.extract_strided_slice %add3A_67 {offsets = [8, 0], sizes = [1, 128], strides = [1, 1]} : vector<16x128xf32> to vector<1x128xf32>
    %scan3A_176 = arith.constant 0 : i32
    %scan3A_177 = arith.constant 128 : i32
    %scan3A_178 = arith.addi %scan3A_176, %scan3A_177 : i32
    %scan3A_179 = arith.constant 1 : i32
    %scan3A_180 = scf.for %scan3A_255 = %scan3A_176 to %scan3A_178 step %scan3A_179 iter_args(%scan3A_256 = %scan3A_170) -> (vector<16x128xf32>)  : i32 {
      %neg3A = arith.constant 0 : i32
      %neg3A_257 = arith.subi %neg3A, %scan3A_255 : i32
      %roll3A = tpu.dynamic_rotate %slice3A_172 by %neg3A_257 dim 1 : vector<1x128xf32>, i32 -> vector<1x128xf32>
      %slice3A_258 = vector.extract_strided_slice %roll3A {offsets = [0, 0], sizes = [1, 1], strides = [1, 1]} : vector<1x128xf32> to vector<1x1xf32>
      %neg3A_259 = arith.constant 0 : i32
      %neg3A_260 = arith.subi %neg3A_259, %scan3A_255 : i32
      %roll3A_261 = tpu.dynamic_rotate %slice3A_173 by %neg3A_260 dim 1 : vector<1x128xf32>, i32 -> vector<1x128xf32>
      %slice3A_262 = vector.extract_strided_slice %roll3A_261 {offsets = [0, 0], sizes = [1, 1], strides = [1, 1]} : vector<1x128xf32> to vector<1x1xf32>
      %neg3A_263 = arith.constant 0 : i32
      %neg3A_264 = arith.subi %neg3A_263, %scan3A_255 : i32
      %roll3A_265 = tpu.dynamic_rotate %slice3A_174 by %neg3A_264 dim 1 : vector<1x128xf32>, i32 -> vector<1x128xf32>
      %slice3A_266 = vector.extract_strided_slice %roll3A_265 {offsets = [0, 0], sizes = [1, 1], strides = [1, 1]} : vector<1x128xf32> to vector<1x1xf32>
      %neg3A_267 = arith.constant 0 : i32
      %neg3A_268 = arith.subi %neg3A_267, %scan3A_255 : i32
      %roll3A_269 = tpu.dynamic_rotate %slice3A_175 by %neg3A_268 dim 1 : vector<1x128xf32>, i32 -> vector<1x128xf32>
      %slice3A_270 = vector.extract_strided_slice %roll3A_269 {offsets = [0, 0], sizes = [1, 1], strides = [1, 1]} : vector<1x128xf32> to vector<1x1xf32>
      %slice3A_271 = vector.extract_strided_slice %scan3A_256 {offsets = [8, 0], sizes = [1, 128], strides = [1, 1]} : vector<16x128xf32> to vector<1x128xf32>
      %neg3A_272 = arith.constant 0 : i32
      %neg3A_273 = arith.subi %neg3A_272, %scan3A_255 : i32
      %roll3A_274 = tpu.dynamic_rotate %slice3A_271 by %neg3A_273 dim 1 : vector<1x128xf32>, i32 -> vector<1x128xf32>
      %slice3A_275 = vector.extract_strided_slice %roll3A_274 {offsets = [0, 0], sizes = [1, 1], strides = [1, 1]} : vector<1x128xf32> to vector<1x1xf32>
      %sub3A_276 = arith.subf %slice3A_266, %slice3A_258 : vector<1x1xf32>
      %max3A_277 = arith.constant 0.000000e+00 : f32
      %max3A_278 = vector.broadcast %max3A_277 : f32 to vector<1x1xf32>
      %max3A_279 = arith.maximumf %sub3A_276, %max3A_278 : vector<1x1xf32>
      %sub3A_280 = arith.subf %slice3A_270, %slice3A_262 : vector<1x1xf32>
      %max3A_281 = arith.constant 0.000000e+00 : f32
      %max3A_282 = vector.broadcast %max3A_281 : f32 to vector<1x1xf32>
      %max3A_283 = arith.maximumf %sub3A_280, %max3A_282 : vector<1x1xf32>
      %mul3A_284 = arith.mulf %max3A_279, %max3A_283 : vector<1x1xf32>
      %max3A_285 = vector.broadcast %slice3A_258 : vector<1x1xf32> to vector<16x128xf32>
      %max3A_286 = arith.maximumf %max3A_285, %sub3A_55 : vector<16x128xf32>
      %max3A_287 = vector.broadcast %slice3A_262 : vector<1x1xf32> to vector<16x128xf32>
      %max3A_288 = arith.maximumf %max3A_287, %sub3A_59 : vector<16x128xf32>
      %min3A_289 = vector.broadcast %slice3A_266 : vector<1x1xf32> to vector<16x128xf32>
      %min3A_290 = arith.minimumf %min3A_289, %add3A_63 : vector<16x128xf32>
      %min3A_291 = vector.broadcast %slice3A_270 : vector<1x1xf32> to vector<16x128xf32>
      %min3A_292 = arith.minimumf %min3A_291, %add3A_67 : vector<16x128xf32>
      %sub3A_293 = arith.subf %min3A_290, %max3A_286 : vector<16x128xf32>
      %max3A_294 = arith.constant 0.000000e+00 : f32
      %max3A_295 = vector.broadcast %max3A_294 : f32 to vector<16x128xf32>
      %max3A_296 = arith.maximumf %sub3A_293, %max3A_295 : vector<16x128xf32>
      %sub3A_297 = arith.subf %min3A_292, %max3A_288 : vector<16x128xf32>
      %max3A_298 = arith.constant 0.000000e+00 : f32
      %max3A_299 = vector.broadcast %max3A_298 : f32 to vector<16x128xf32>
      %max3A_300 = arith.maximumf %sub3A_297, %max3A_299 : vector<16x128xf32>
      %mul3A_301 = arith.mulf %max3A_296, %max3A_300 : vector<16x128xf32>
      %add3A_302 = vector.broadcast %mul3A_284 : vector<1x1xf32> to vector<16x128xf32>
      %add3A_303 = arith.addf %add3A_302, %mul3A_87 : vector<16x128xf32>
      %sub3A_304 = arith.subf %add3A_303, %mul3A_301 : vector<16x128xf32>
      %add3A_305 = arith.constant 9.99999993E-9 : f32
      %add3A_306 = vector.broadcast %add3A_305 : f32 to vector<16x128xf32>
      %add3A_307 = arith.addf %sub3A_304, %add3A_306 : vector<16x128xf32>
      %div3A = arith.divf %mul3A_301, %add3A_307 : vector<16x128xf32>
      %gt3A = arith.constant 0.699999988 : f32
      %gt3A_308 = vector.broadcast %gt3A : f32 to vector<16x128xf32>
      %gt3A_309 = arith.cmpf ogt, %div3A, %gt3A_308 : vector<16x128xf32>
      %add3A_310 = arith.constant 1024 : i32
      %add3A_311 = arith.addi %add3A_310, %scan3A_255 : i32
      %gt3A_312 = vector.broadcast %add3A_311 : i32 to vector<16x128xi32>
      %gt3A_313 = arith.cmpi sgt, %add3A_92, %gt3A_312 : vector<16x128xi32>
      %and3A = arith.andi %gt3A_309, %gt3A_313 : vector<16x128xi1>
      %gt3A_314 = arith.constant 5.000000e-01 : f32
      %gt3A_315 = vector.broadcast %gt3A_314 : f32 to vector<1x1xf32>
      %gt3A_316 = arith.cmpf ogt, %slice3A_275, %gt3A_315 : vector<1x1xf32>
      %and3A_317 = vector.broadcast %gt3A_316 : vector<1x1xi1> to vector<16x128xi1>
      %and3A_318 = arith.andi %and3A, %and3A_317 : vector<16x128xi1>
      %jit3A_319 = arith.constant 0.000000e+00 : f32
      %broadcast_in_dim3A_320 = vector.broadcast %jit3A_319 : f32 to vector<16x128xf32>
      %select_n3A = arith.select %and3A_318, %broadcast_in_dim3A_320, %scan3A_256 : vector<16x128xi1>, vector<16x128xf32>
      scf.yield %select_n3A : vector<16x128xf32>
    }
    %scan3A_181 = arith.constant 128 : i32
    %slice3A_182 = vector.extract_strided_slice %sub3A_55 {offsets = [9, 0], sizes = [1, 128], strides = [1, 1]} : vector<16x128xf32> to vector<1x128xf32>
    %slice3A_183 = vector.extract_strided_slice %sub3A_59 {offsets = [9, 0], sizes = [1, 128], strides = [1, 1]} : vector<16x128xf32> to vector<1x128xf32>
    %slice3A_184 = vector.extract_strided_slice %add3A_63 {offsets = [9, 0], sizes = [1, 128], strides = [1, 1]} : vector<16x128xf32> to vector<1x128xf32>
    %slice3A_185 = vector.extract_strided_slice %add3A_67 {offsets = [9, 0], sizes = [1, 128], strides = [1, 1]} : vector<16x128xf32> to vector<1x128xf32>
    %scan3A_186 = arith.constant 0 : i32
    %scan3A_187 = arith.constant 128 : i32
    %scan3A_188 = arith.addi %scan3A_186, %scan3A_187 : i32
    %scan3A_189 = arith.constant 1 : i32
    %scan3A_190 = scf.for %scan3A_255 = %scan3A_186 to %scan3A_188 step %scan3A_189 iter_args(%scan3A_256 = %scan3A_180) -> (vector<16x128xf32>)  : i32 {
      %neg3A = arith.constant 0 : i32
      %neg3A_257 = arith.subi %neg3A, %scan3A_255 : i32
      %roll3A = tpu.dynamic_rotate %slice3A_182 by %neg3A_257 dim 1 : vector<1x128xf32>, i32 -> vector<1x128xf32>
      %slice3A_258 = vector.extract_strided_slice %roll3A {offsets = [0, 0], sizes = [1, 1], strides = [1, 1]} : vector<1x128xf32> to vector<1x1xf32>
      %neg3A_259 = arith.constant 0 : i32
      %neg3A_260 = arith.subi %neg3A_259, %scan3A_255 : i32
      %roll3A_261 = tpu.dynamic_rotate %slice3A_183 by %neg3A_260 dim 1 : vector<1x128xf32>, i32 -> vector<1x128xf32>
      %slice3A_262 = vector.extract_strided_slice %roll3A_261 {offsets = [0, 0], sizes = [1, 1], strides = [1, 1]} : vector<1x128xf32> to vector<1x1xf32>
      %neg3A_263 = arith.constant 0 : i32
      %neg3A_264 = arith.subi %neg3A_263, %scan3A_255 : i32
      %roll3A_265 = tpu.dynamic_rotate %slice3A_184 by %neg3A_264 dim 1 : vector<1x128xf32>, i32 -> vector<1x128xf32>
      %slice3A_266 = vector.extract_strided_slice %roll3A_265 {offsets = [0, 0], sizes = [1, 1], strides = [1, 1]} : vector<1x128xf32> to vector<1x1xf32>
      %neg3A_267 = arith.constant 0 : i32
      %neg3A_268 = arith.subi %neg3A_267, %scan3A_255 : i32
      %roll3A_269 = tpu.dynamic_rotate %slice3A_185 by %neg3A_268 dim 1 : vector<1x128xf32>, i32 -> vector<1x128xf32>
      %slice3A_270 = vector.extract_strided_slice %roll3A_269 {offsets = [0, 0], sizes = [1, 1], strides = [1, 1]} : vector<1x128xf32> to vector<1x1xf32>
      %slice3A_271 = vector.extract_strided_slice %scan3A_256 {offsets = [9, 0], sizes = [1, 128], strides = [1, 1]} : vector<16x128xf32> to vector<1x128xf32>
      %neg3A_272 = arith.constant 0 : i32
      %neg3A_273 = arith.subi %neg3A_272, %scan3A_255 : i32
      %roll3A_274 = tpu.dynamic_rotate %slice3A_271 by %neg3A_273 dim 1 : vector<1x128xf32>, i32 -> vector<1x128xf32>
      %slice3A_275 = vector.extract_strided_slice %roll3A_274 {offsets = [0, 0], sizes = [1, 1], strides = [1, 1]} : vector<1x128xf32> to vector<1x1xf32>
      %sub3A_276 = arith.subf %slice3A_266, %slice3A_258 : vector<1x1xf32>
      %max3A_277 = arith.constant 0.000000e+00 : f32
      %max3A_278 = vector.broadcast %max3A_277 : f32 to vector<1x1xf32>
      %max3A_279 = arith.maximumf %sub3A_276, %max3A_278 : vector<1x1xf32>
      %sub3A_280 = arith.subf %slice3A_270, %slice3A_262 : vector<1x1xf32>
      %max3A_281 = arith.constant 0.000000e+00 : f32
      %max3A_282 = vector.broadcast %max3A_281 : f32 to vector<1x1xf32>
      %max3A_283 = arith.maximumf %sub3A_280, %max3A_282 : vector<1x1xf32>
      %mul3A_284 = arith.mulf %max3A_279, %max3A_283 : vector<1x1xf32>
      %max3A_285 = vector.broadcast %slice3A_258 : vector<1x1xf32> to vector<16x128xf32>
      %max3A_286 = arith.maximumf %max3A_285, %sub3A_55 : vector<16x128xf32>
      %max3A_287 = vector.broadcast %slice3A_262 : vector<1x1xf32> to vector<16x128xf32>
      %max3A_288 = arith.maximumf %max3A_287, %sub3A_59 : vector<16x128xf32>
      %min3A_289 = vector.broadcast %slice3A_266 : vector<1x1xf32> to vector<16x128xf32>
      %min3A_290 = arith.minimumf %min3A_289, %add3A_63 : vector<16x128xf32>
      %min3A_291 = vector.broadcast %slice3A_270 : vector<1x1xf32> to vector<16x128xf32>
      %min3A_292 = arith.minimumf %min3A_291, %add3A_67 : vector<16x128xf32>
      %sub3A_293 = arith.subf %min3A_290, %max3A_286 : vector<16x128xf32>
      %max3A_294 = arith.constant 0.000000e+00 : f32
      %max3A_295 = vector.broadcast %max3A_294 : f32 to vector<16x128xf32>
      %max3A_296 = arith.maximumf %sub3A_293, %max3A_295 : vector<16x128xf32>
      %sub3A_297 = arith.subf %min3A_292, %max3A_288 : vector<16x128xf32>
      %max3A_298 = arith.constant 0.000000e+00 : f32
      %max3A_299 = vector.broadcast %max3A_298 : f32 to vector<16x128xf32>
      %max3A_300 = arith.maximumf %sub3A_297, %max3A_299 : vector<16x128xf32>
      %mul3A_301 = arith.mulf %max3A_296, %max3A_300 : vector<16x128xf32>
      %add3A_302 = vector.broadcast %mul3A_284 : vector<1x1xf32> to vector<16x128xf32>
      %add3A_303 = arith.addf %add3A_302, %mul3A_87 : vector<16x128xf32>
      %sub3A_304 = arith.subf %add3A_303, %mul3A_301 : vector<16x128xf32>
      %add3A_305 = arith.constant 9.99999993E-9 : f32
      %add3A_306 = vector.broadcast %add3A_305 : f32 to vector<16x128xf32>
      %add3A_307 = arith.addf %sub3A_304, %add3A_306 : vector<16x128xf32>
      %div3A = arith.divf %mul3A_301, %add3A_307 : vector<16x128xf32>
      %gt3A = arith.constant 0.699999988 : f32
      %gt3A_308 = vector.broadcast %gt3A : f32 to vector<16x128xf32>
      %gt3A_309 = arith.cmpf ogt, %div3A, %gt3A_308 : vector<16x128xf32>
      %add3A_310 = arith.constant 1152 : i32
      %add3A_311 = arith.addi %add3A_310, %scan3A_255 : i32
      %gt3A_312 = vector.broadcast %add3A_311 : i32 to vector<16x128xi32>
      %gt3A_313 = arith.cmpi sgt, %add3A_92, %gt3A_312 : vector<16x128xi32>
      %and3A = arith.andi %gt3A_309, %gt3A_313 : vector<16x128xi1>
      %gt3A_314 = arith.constant 5.000000e-01 : f32
      %gt3A_315 = vector.broadcast %gt3A_314 : f32 to vector<1x1xf32>
      %gt3A_316 = arith.cmpf ogt, %slice3A_275, %gt3A_315 : vector<1x1xf32>
      %and3A_317 = vector.broadcast %gt3A_316 : vector<1x1xi1> to vector<16x128xi1>
      %and3A_318 = arith.andi %and3A, %and3A_317 : vector<16x128xi1>
      %jit3A_319 = arith.constant 0.000000e+00 : f32
      %broadcast_in_dim3A_320 = vector.broadcast %jit3A_319 : f32 to vector<16x128xf32>
      %select_n3A = arith.select %and3A_318, %broadcast_in_dim3A_320, %scan3A_256 : vector<16x128xi1>, vector<16x128xf32>
      scf.yield %select_n3A : vector<16x128xf32>
    }
    %scan3A_191 = arith.constant 128 : i32
    %slice3A_192 = vector.extract_strided_slice %sub3A_55 {offsets = [10, 0], sizes = [1, 128], strides = [1, 1]} : vector<16x128xf32> to vector<1x128xf32>
    %slice3A_193 = vector.extract_strided_slice %sub3A_59 {offsets = [10, 0], sizes = [1, 128], strides = [1, 1]} : vector<16x128xf32> to vector<1x128xf32>
    %slice3A_194 = vector.extract_strided_slice %add3A_63 {offsets = [10, 0], sizes = [1, 128], strides = [1, 1]} : vector<16x128xf32> to vector<1x128xf32>
    %slice3A_195 = vector.extract_strided_slice %add3A_67 {offsets = [10, 0], sizes = [1, 128], strides = [1, 1]} : vector<16x128xf32> to vector<1x128xf32>
    %scan3A_196 = arith.constant 0 : i32
    %scan3A_197 = arith.constant 128 : i32
    %scan3A_198 = arith.addi %scan3A_196, %scan3A_197 : i32
    %scan3A_199 = arith.constant 1 : i32
    %scan3A_200 = scf.for %scan3A_255 = %scan3A_196 to %scan3A_198 step %scan3A_199 iter_args(%scan3A_256 = %scan3A_190) -> (vector<16x128xf32>)  : i32 {
      %neg3A = arith.constant 0 : i32
      %neg3A_257 = arith.subi %neg3A, %scan3A_255 : i32
      %roll3A = tpu.dynamic_rotate %slice3A_192 by %neg3A_257 dim 1 : vector<1x128xf32>, i32 -> vector<1x128xf32>
      %slice3A_258 = vector.extract_strided_slice %roll3A {offsets = [0, 0], sizes = [1, 1], strides = [1, 1]} : vector<1x128xf32> to vector<1x1xf32>
      %neg3A_259 = arith.constant 0 : i32
      %neg3A_260 = arith.subi %neg3A_259, %scan3A_255 : i32
      %roll3A_261 = tpu.dynamic_rotate %slice3A_193 by %neg3A_260 dim 1 : vector<1x128xf32>, i32 -> vector<1x128xf32>
      %slice3A_262 = vector.extract_strided_slice %roll3A_261 {offsets = [0, 0], sizes = [1, 1], strides = [1, 1]} : vector<1x128xf32> to vector<1x1xf32>
      %neg3A_263 = arith.constant 0 : i32
      %neg3A_264 = arith.subi %neg3A_263, %scan3A_255 : i32
      %roll3A_265 = tpu.dynamic_rotate %slice3A_194 by %neg3A_264 dim 1 : vector<1x128xf32>, i32 -> vector<1x128xf32>
      %slice3A_266 = vector.extract_strided_slice %roll3A_265 {offsets = [0, 0], sizes = [1, 1], strides = [1, 1]} : vector<1x128xf32> to vector<1x1xf32>
      %neg3A_267 = arith.constant 0 : i32
      %neg3A_268 = arith.subi %neg3A_267, %scan3A_255 : i32
      %roll3A_269 = tpu.dynamic_rotate %slice3A_195 by %neg3A_268 dim 1 : vector<1x128xf32>, i32 -> vector<1x128xf32>
      %slice3A_270 = vector.extract_strided_slice %roll3A_269 {offsets = [0, 0], sizes = [1, 1], strides = [1, 1]} : vector<1x128xf32> to vector<1x1xf32>
      %slice3A_271 = vector.extract_strided_slice %scan3A_256 {offsets = [10, 0], sizes = [1, 128], strides = [1, 1]} : vector<16x128xf32> to vector<1x128xf32>
      %neg3A_272 = arith.constant 0 : i32
      %neg3A_273 = arith.subi %neg3A_272, %scan3A_255 : i32
      %roll3A_274 = tpu.dynamic_rotate %slice3A_271 by %neg3A_273 dim 1 : vector<1x128xf32>, i32 -> vector<1x128xf32>
      %slice3A_275 = vector.extract_strided_slice %roll3A_274 {offsets = [0, 0], sizes = [1, 1], strides = [1, 1]} : vector<1x128xf32> to vector<1x1xf32>
      %sub3A_276 = arith.subf %slice3A_266, %slice3A_258 : vector<1x1xf32>
      %max3A_277 = arith.constant 0.000000e+00 : f32
      %max3A_278 = vector.broadcast %max3A_277 : f32 to vector<1x1xf32>
      %max3A_279 = arith.maximumf %sub3A_276, %max3A_278 : vector<1x1xf32>
      %sub3A_280 = arith.subf %slice3A_270, %slice3A_262 : vector<1x1xf32>
      %max3A_281 = arith.constant 0.000000e+00 : f32
      %max3A_282 = vector.broadcast %max3A_281 : f32 to vector<1x1xf32>
      %max3A_283 = arith.maximumf %sub3A_280, %max3A_282 : vector<1x1xf32>
      %mul3A_284 = arith.mulf %max3A_279, %max3A_283 : vector<1x1xf32>
      %max3A_285 = vector.broadcast %slice3A_258 : vector<1x1xf32> to vector<16x128xf32>
      %max3A_286 = arith.maximumf %max3A_285, %sub3A_55 : vector<16x128xf32>
      %max3A_287 = vector.broadcast %slice3A_262 : vector<1x1xf32> to vector<16x128xf32>
      %max3A_288 = arith.maximumf %max3A_287, %sub3A_59 : vector<16x128xf32>
      %min3A_289 = vector.broadcast %slice3A_266 : vector<1x1xf32> to vector<16x128xf32>
      %min3A_290 = arith.minimumf %min3A_289, %add3A_63 : vector<16x128xf32>
      %min3A_291 = vector.broadcast %slice3A_270 : vector<1x1xf32> to vector<16x128xf32>
      %min3A_292 = arith.minimumf %min3A_291, %add3A_67 : vector<16x128xf32>
      %sub3A_293 = arith.subf %min3A_290, %max3A_286 : vector<16x128xf32>
      %max3A_294 = arith.constant 0.000000e+00 : f32
      %max3A_295 = vector.broadcast %max3A_294 : f32 to vector<16x128xf32>
      %max3A_296 = arith.maximumf %sub3A_293, %max3A_295 : vector<16x128xf32>
      %sub3A_297 = arith.subf %min3A_292, %max3A_288 : vector<16x128xf32>
      %max3A_298 = arith.constant 0.000000e+00 : f32
      %max3A_299 = vector.broadcast %max3A_298 : f32 to vector<16x128xf32>
      %max3A_300 = arith.maximumf %sub3A_297, %max3A_299 : vector<16x128xf32>
      %mul3A_301 = arith.mulf %max3A_296, %max3A_300 : vector<16x128xf32>
      %add3A_302 = vector.broadcast %mul3A_284 : vector<1x1xf32> to vector<16x128xf32>
      %add3A_303 = arith.addf %add3A_302, %mul3A_87 : vector<16x128xf32>
      %sub3A_304 = arith.subf %add3A_303, %mul3A_301 : vector<16x128xf32>
      %add3A_305 = arith.constant 9.99999993E-9 : f32
      %add3A_306 = vector.broadcast %add3A_305 : f32 to vector<16x128xf32>
      %add3A_307 = arith.addf %sub3A_304, %add3A_306 : vector<16x128xf32>
      %div3A = arith.divf %mul3A_301, %add3A_307 : vector<16x128xf32>
      %gt3A = arith.constant 0.699999988 : f32
      %gt3A_308 = vector.broadcast %gt3A : f32 to vector<16x128xf32>
      %gt3A_309 = arith.cmpf ogt, %div3A, %gt3A_308 : vector<16x128xf32>
      %add3A_310 = arith.constant 1280 : i32
      %add3A_311 = arith.addi %add3A_310, %scan3A_255 : i32
      %gt3A_312 = vector.broadcast %add3A_311 : i32 to vector<16x128xi32>
      %gt3A_313 = arith.cmpi sgt, %add3A_92, %gt3A_312 : vector<16x128xi32>
      %and3A = arith.andi %gt3A_309, %gt3A_313 : vector<16x128xi1>
      %gt3A_314 = arith.constant 5.000000e-01 : f32
      %gt3A_315 = vector.broadcast %gt3A_314 : f32 to vector<1x1xf32>
      %gt3A_316 = arith.cmpf ogt, %slice3A_275, %gt3A_315 : vector<1x1xf32>
      %and3A_317 = vector.broadcast %gt3A_316 : vector<1x1xi1> to vector<16x128xi1>
      %and3A_318 = arith.andi %and3A, %and3A_317 : vector<16x128xi1>
      %jit3A_319 = arith.constant 0.000000e+00 : f32
      %broadcast_in_dim3A_320 = vector.broadcast %jit3A_319 : f32 to vector<16x128xf32>
      %select_n3A = arith.select %and3A_318, %broadcast_in_dim3A_320, %scan3A_256 : vector<16x128xi1>, vector<16x128xf32>
      scf.yield %select_n3A : vector<16x128xf32>
    }
    %scan3A_201 = arith.constant 128 : i32
    %slice3A_202 = vector.extract_strided_slice %sub3A_55 {offsets = [11, 0], sizes = [1, 128], strides = [1, 1]} : vector<16x128xf32> to vector<1x128xf32>
    %slice3A_203 = vector.extract_strided_slice %sub3A_59 {offsets = [11, 0], sizes = [1, 128], strides = [1, 1]} : vector<16x128xf32> to vector<1x128xf32>
    %slice3A_204 = vector.extract_strided_slice %add3A_63 {offsets = [11, 0], sizes = [1, 128], strides = [1, 1]} : vector<16x128xf32> to vector<1x128xf32>
    %slice3A_205 = vector.extract_strided_slice %add3A_67 {offsets = [11, 0], sizes = [1, 128], strides = [1, 1]} : vector<16x128xf32> to vector<1x128xf32>
    %scan3A_206 = arith.constant 0 : i32
    %scan3A_207 = arith.constant 128 : i32
    %scan3A_208 = arith.addi %scan3A_206, %scan3A_207 : i32
    %scan3A_209 = arith.constant 1 : i32
    %scan3A_210 = scf.for %scan3A_255 = %scan3A_206 to %scan3A_208 step %scan3A_209 iter_args(%scan3A_256 = %scan3A_200) -> (vector<16x128xf32>)  : i32 {
      %neg3A = arith.constant 0 : i32
      %neg3A_257 = arith.subi %neg3A, %scan3A_255 : i32
      %roll3A = tpu.dynamic_rotate %slice3A_202 by %neg3A_257 dim 1 : vector<1x128xf32>, i32 -> vector<1x128xf32>
      %slice3A_258 = vector.extract_strided_slice %roll3A {offsets = [0, 0], sizes = [1, 1], strides = [1, 1]} : vector<1x128xf32> to vector<1x1xf32>
      %neg3A_259 = arith.constant 0 : i32
      %neg3A_260 = arith.subi %neg3A_259, %scan3A_255 : i32
      %roll3A_261 = tpu.dynamic_rotate %slice3A_203 by %neg3A_260 dim 1 : vector<1x128xf32>, i32 -> vector<1x128xf32>
      %slice3A_262 = vector.extract_strided_slice %roll3A_261 {offsets = [0, 0], sizes = [1, 1], strides = [1, 1]} : vector<1x128xf32> to vector<1x1xf32>
      %neg3A_263 = arith.constant 0 : i32
      %neg3A_264 = arith.subi %neg3A_263, %scan3A_255 : i32
      %roll3A_265 = tpu.dynamic_rotate %slice3A_204 by %neg3A_264 dim 1 : vector<1x128xf32>, i32 -> vector<1x128xf32>
      %slice3A_266 = vector.extract_strided_slice %roll3A_265 {offsets = [0, 0], sizes = [1, 1], strides = [1, 1]} : vector<1x128xf32> to vector<1x1xf32>
      %neg3A_267 = arith.constant 0 : i32
      %neg3A_268 = arith.subi %neg3A_267, %scan3A_255 : i32
      %roll3A_269 = tpu.dynamic_rotate %slice3A_205 by %neg3A_268 dim 1 : vector<1x128xf32>, i32 -> vector<1x128xf32>
      %slice3A_270 = vector.extract_strided_slice %roll3A_269 {offsets = [0, 0], sizes = [1, 1], strides = [1, 1]} : vector<1x128xf32> to vector<1x1xf32>
      %slice3A_271 = vector.extract_strided_slice %scan3A_256 {offsets = [11, 0], sizes = [1, 128], strides = [1, 1]} : vector<16x128xf32> to vector<1x128xf32>
      %neg3A_272 = arith.constant 0 : i32
      %neg3A_273 = arith.subi %neg3A_272, %scan3A_255 : i32
      %roll3A_274 = tpu.dynamic_rotate %slice3A_271 by %neg3A_273 dim 1 : vector<1x128xf32>, i32 -> vector<1x128xf32>
      %slice3A_275 = vector.extract_strided_slice %roll3A_274 {offsets = [0, 0], sizes = [1, 1], strides = [1, 1]} : vector<1x128xf32> to vector<1x1xf32>
      %sub3A_276 = arith.subf %slice3A_266, %slice3A_258 : vector<1x1xf32>
      %max3A_277 = arith.constant 0.000000e+00 : f32
      %max3A_278 = vector.broadcast %max3A_277 : f32 to vector<1x1xf32>
      %max3A_279 = arith.maximumf %sub3A_276, %max3A_278 : vector<1x1xf32>
      %sub3A_280 = arith.subf %slice3A_270, %slice3A_262 : vector<1x1xf32>
      %max3A_281 = arith.constant 0.000000e+00 : f32
      %max3A_282 = vector.broadcast %max3A_281 : f32 to vector<1x1xf32>
      %max3A_283 = arith.maximumf %sub3A_280, %max3A_282 : vector<1x1xf32>
      %mul3A_284 = arith.mulf %max3A_279, %max3A_283 : vector<1x1xf32>
      %max3A_285 = vector.broadcast %slice3A_258 : vector<1x1xf32> to vector<16x128xf32>
      %max3A_286 = arith.maximumf %max3A_285, %sub3A_55 : vector<16x128xf32>
      %max3A_287 = vector.broadcast %slice3A_262 : vector<1x1xf32> to vector<16x128xf32>
      %max3A_288 = arith.maximumf %max3A_287, %sub3A_59 : vector<16x128xf32>
      %min3A_289 = vector.broadcast %slice3A_266 : vector<1x1xf32> to vector<16x128xf32>
      %min3A_290 = arith.minimumf %min3A_289, %add3A_63 : vector<16x128xf32>
      %min3A_291 = vector.broadcast %slice3A_270 : vector<1x1xf32> to vector<16x128xf32>
      %min3A_292 = arith.minimumf %min3A_291, %add3A_67 : vector<16x128xf32>
      %sub3A_293 = arith.subf %min3A_290, %max3A_286 : vector<16x128xf32>
      %max3A_294 = arith.constant 0.000000e+00 : f32
      %max3A_295 = vector.broadcast %max3A_294 : f32 to vector<16x128xf32>
      %max3A_296 = arith.maximumf %sub3A_293, %max3A_295 : vector<16x128xf32>
      %sub3A_297 = arith.subf %min3A_292, %max3A_288 : vector<16x128xf32>
      %max3A_298 = arith.constant 0.000000e+00 : f32
      %max3A_299 = vector.broadcast %max3A_298 : f32 to vector<16x128xf32>
      %max3A_300 = arith.maximumf %sub3A_297, %max3A_299 : vector<16x128xf32>
      %mul3A_301 = arith.mulf %max3A_296, %max3A_300 : vector<16x128xf32>
      %add3A_302 = vector.broadcast %mul3A_284 : vector<1x1xf32> to vector<16x128xf32>
      %add3A_303 = arith.addf %add3A_302, %mul3A_87 : vector<16x128xf32>
      %sub3A_304 = arith.subf %add3A_303, %mul3A_301 : vector<16x128xf32>
      %add3A_305 = arith.constant 9.99999993E-9 : f32
      %add3A_306 = vector.broadcast %add3A_305 : f32 to vector<16x128xf32>
      %add3A_307 = arith.addf %sub3A_304, %add3A_306 : vector<16x128xf32>
      %div3A = arith.divf %mul3A_301, %add3A_307 : vector<16x128xf32>
      %gt3A = arith.constant 0.699999988 : f32
      %gt3A_308 = vector.broadcast %gt3A : f32 to vector<16x128xf32>
      %gt3A_309 = arith.cmpf ogt, %div3A, %gt3A_308 : vector<16x128xf32>
      %add3A_310 = arith.constant 1408 : i32
      %add3A_311 = arith.addi %add3A_310, %scan3A_255 : i32
      %gt3A_312 = vector.broadcast %add3A_311 : i32 to vector<16x128xi32>
      %gt3A_313 = arith.cmpi sgt, %add3A_92, %gt3A_312 : vector<16x128xi32>
      %and3A = arith.andi %gt3A_309, %gt3A_313 : vector<16x128xi1>
      %gt3A_314 = arith.constant 5.000000e-01 : f32
      %gt3A_315 = vector.broadcast %gt3A_314 : f32 to vector<1x1xf32>
      %gt3A_316 = arith.cmpf ogt, %slice3A_275, %gt3A_315 : vector<1x1xf32>
      %and3A_317 = vector.broadcast %gt3A_316 : vector<1x1xi1> to vector<16x128xi1>
      %and3A_318 = arith.andi %and3A, %and3A_317 : vector<16x128xi1>
      %jit3A_319 = arith.constant 0.000000e+00 : f32
      %broadcast_in_dim3A_320 = vector.broadcast %jit3A_319 : f32 to vector<16x128xf32>
      %select_n3A = arith.select %and3A_318, %broadcast_in_dim3A_320, %scan3A_256 : vector<16x128xi1>, vector<16x128xf32>
      scf.yield %select_n3A : vector<16x128xf32>
    }
    %scan3A_211 = arith.constant 128 : i32
    %slice3A_212 = vector.extract_strided_slice %sub3A_55 {offsets = [12, 0], sizes = [1, 128], strides = [1, 1]} : vector<16x128xf32> to vector<1x128xf32>
    %slice3A_213 = vector.extract_strided_slice %sub3A_59 {offsets = [12, 0], sizes = [1, 128], strides = [1, 1]} : vector<16x128xf32> to vector<1x128xf32>
    %slice3A_214 = vector.extract_strided_slice %add3A_63 {offsets = [12, 0], sizes = [1, 128], strides = [1, 1]} : vector<16x128xf32> to vector<1x128xf32>
    %slice3A_215 = vector.extract_strided_slice %add3A_67 {offsets = [12, 0], sizes = [1, 128], strides = [1, 1]} : vector<16x128xf32> to vector<1x128xf32>
    %scan3A_216 = arith.constant 0 : i32
    %scan3A_217 = arith.constant 128 : i32
    %scan3A_218 = arith.addi %scan3A_216, %scan3A_217 : i32
    %scan3A_219 = arith.constant 1 : i32
    %scan3A_220 = scf.for %scan3A_255 = %scan3A_216 to %scan3A_218 step %scan3A_219 iter_args(%scan3A_256 = %scan3A_210) -> (vector<16x128xf32>)  : i32 {
      %neg3A = arith.constant 0 : i32
      %neg3A_257 = arith.subi %neg3A, %scan3A_255 : i32
      %roll3A = tpu.dynamic_rotate %slice3A_212 by %neg3A_257 dim 1 : vector<1x128xf32>, i32 -> vector<1x128xf32>
      %slice3A_258 = vector.extract_strided_slice %roll3A {offsets = [0, 0], sizes = [1, 1], strides = [1, 1]} : vector<1x128xf32> to vector<1x1xf32>
      %neg3A_259 = arith.constant 0 : i32
      %neg3A_260 = arith.subi %neg3A_259, %scan3A_255 : i32
      %roll3A_261 = tpu.dynamic_rotate %slice3A_213 by %neg3A_260 dim 1 : vector<1x128xf32>, i32 -> vector<1x128xf32>
      %slice3A_262 = vector.extract_strided_slice %roll3A_261 {offsets = [0, 0], sizes = [1, 1], strides = [1, 1]} : vector<1x128xf32> to vector<1x1xf32>
      %neg3A_263 = arith.constant 0 : i32
      %neg3A_264 = arith.subi %neg3A_263, %scan3A_255 : i32
      %roll3A_265 = tpu.dynamic_rotate %slice3A_214 by %neg3A_264 dim 1 : vector<1x128xf32>, i32 -> vector<1x128xf32>
      %slice3A_266 = vector.extract_strided_slice %roll3A_265 {offsets = [0, 0], sizes = [1, 1], strides = [1, 1]} : vector<1x128xf32> to vector<1x1xf32>
      %neg3A_267 = arith.constant 0 : i32
      %neg3A_268 = arith.subi %neg3A_267, %scan3A_255 : i32
      %roll3A_269 = tpu.dynamic_rotate %slice3A_215 by %neg3A_268 dim 1 : vector<1x128xf32>, i32 -> vector<1x128xf32>
      %slice3A_270 = vector.extract_strided_slice %roll3A_269 {offsets = [0, 0], sizes = [1, 1], strides = [1, 1]} : vector<1x128xf32> to vector<1x1xf32>
      %slice3A_271 = vector.extract_strided_slice %scan3A_256 {offsets = [12, 0], sizes = [1, 128], strides = [1, 1]} : vector<16x128xf32> to vector<1x128xf32>
      %neg3A_272 = arith.constant 0 : i32
      %neg3A_273 = arith.subi %neg3A_272, %scan3A_255 : i32
      %roll3A_274 = tpu.dynamic_rotate %slice3A_271 by %neg3A_273 dim 1 : vector<1x128xf32>, i32 -> vector<1x128xf32>
      %slice3A_275 = vector.extract_strided_slice %roll3A_274 {offsets = [0, 0], sizes = [1, 1], strides = [1, 1]} : vector<1x128xf32> to vector<1x1xf32>
      %sub3A_276 = arith.subf %slice3A_266, %slice3A_258 : vector<1x1xf32>
      %max3A_277 = arith.constant 0.000000e+00 : f32
      %max3A_278 = vector.broadcast %max3A_277 : f32 to vector<1x1xf32>
      %max3A_279 = arith.maximumf %sub3A_276, %max3A_278 : vector<1x1xf32>
      %sub3A_280 = arith.subf %slice3A_270, %slice3A_262 : vector<1x1xf32>
      %max3A_281 = arith.constant 0.000000e+00 : f32
      %max3A_282 = vector.broadcast %max3A_281 : f32 to vector<1x1xf32>
      %max3A_283 = arith.maximumf %sub3A_280, %max3A_282 : vector<1x1xf32>
      %mul3A_284 = arith.mulf %max3A_279, %max3A_283 : vector<1x1xf32>
      %max3A_285 = vector.broadcast %slice3A_258 : vector<1x1xf32> to vector<16x128xf32>
      %max3A_286 = arith.maximumf %max3A_285, %sub3A_55 : vector<16x128xf32>
      %max3A_287 = vector.broadcast %slice3A_262 : vector<1x1xf32> to vector<16x128xf32>
      %max3A_288 = arith.maximumf %max3A_287, %sub3A_59 : vector<16x128xf32>
      %min3A_289 = vector.broadcast %slice3A_266 : vector<1x1xf32> to vector<16x128xf32>
      %min3A_290 = arith.minimumf %min3A_289, %add3A_63 : vector<16x128xf32>
      %min3A_291 = vector.broadcast %slice3A_270 : vector<1x1xf32> to vector<16x128xf32>
      %min3A_292 = arith.minimumf %min3A_291, %add3A_67 : vector<16x128xf32>
      %sub3A_293 = arith.subf %min3A_290, %max3A_286 : vector<16x128xf32>
      %max3A_294 = arith.constant 0.000000e+00 : f32
      %max3A_295 = vector.broadcast %max3A_294 : f32 to vector<16x128xf32>
      %max3A_296 = arith.maximumf %sub3A_293, %max3A_295 : vector<16x128xf32>
      %sub3A_297 = arith.subf %min3A_292, %max3A_288 : vector<16x128xf32>
      %max3A_298 = arith.constant 0.000000e+00 : f32
      %max3A_299 = vector.broadcast %max3A_298 : f32 to vector<16x128xf32>
      %max3A_300 = arith.maximumf %sub3A_297, %max3A_299 : vector<16x128xf32>
      %mul3A_301 = arith.mulf %max3A_296, %max3A_300 : vector<16x128xf32>
      %add3A_302 = vector.broadcast %mul3A_284 : vector<1x1xf32> to vector<16x128xf32>
      %add3A_303 = arith.addf %add3A_302, %mul3A_87 : vector<16x128xf32>
      %sub3A_304 = arith.subf %add3A_303, %mul3A_301 : vector<16x128xf32>
      %add3A_305 = arith.constant 9.99999993E-9 : f32
      %add3A_306 = vector.broadcast %add3A_305 : f32 to vector<16x128xf32>
      %add3A_307 = arith.addf %sub3A_304, %add3A_306 : vector<16x128xf32>
      %div3A = arith.divf %mul3A_301, %add3A_307 : vector<16x128xf32>
      %gt3A = arith.constant 0.699999988 : f32
      %gt3A_308 = vector.broadcast %gt3A : f32 to vector<16x128xf32>
      %gt3A_309 = arith.cmpf ogt, %div3A, %gt3A_308 : vector<16x128xf32>
      %add3A_310 = arith.constant 1536 : i32
      %add3A_311 = arith.addi %add3A_310, %scan3A_255 : i32
      %gt3A_312 = vector.broadcast %add3A_311 : i32 to vector<16x128xi32>
      %gt3A_313 = arith.cmpi sgt, %add3A_92, %gt3A_312 : vector<16x128xi32>
      %and3A = arith.andi %gt3A_309, %gt3A_313 : vector<16x128xi1>
      %gt3A_314 = arith.constant 5.000000e-01 : f32
      %gt3A_315 = vector.broadcast %gt3A_314 : f32 to vector<1x1xf32>
      %gt3A_316 = arith.cmpf ogt, %slice3A_275, %gt3A_315 : vector<1x1xf32>
      %and3A_317 = vector.broadcast %gt3A_316 : vector<1x1xi1> to vector<16x128xi1>
      %and3A_318 = arith.andi %and3A, %and3A_317 : vector<16x128xi1>
      %jit3A_319 = arith.constant 0.000000e+00 : f32
      %broadcast_in_dim3A_320 = vector.broadcast %jit3A_319 : f32 to vector<16x128xf32>
      %select_n3A = arith.select %and3A_318, %broadcast_in_dim3A_320, %scan3A_256 : vector<16x128xi1>, vector<16x128xf32>
      scf.yield %select_n3A : vector<16x128xf32>
    }
    %scan3A_221 = arith.constant 128 : i32
    %slice3A_222 = vector.extract_strided_slice %sub3A_55 {offsets = [13, 0], sizes = [1, 128], strides = [1, 1]} : vector<16x128xf32> to vector<1x128xf32>
    %slice3A_223 = vector.extract_strided_slice %sub3A_59 {offsets = [13, 0], sizes = [1, 128], strides = [1, 1]} : vector<16x128xf32> to vector<1x128xf32>
    %slice3A_224 = vector.extract_strided_slice %add3A_63 {offsets = [13, 0], sizes = [1, 128], strides = [1, 1]} : vector<16x128xf32> to vector<1x128xf32>
    %slice3A_225 = vector.extract_strided_slice %add3A_67 {offsets = [13, 0], sizes = [1, 128], strides = [1, 1]} : vector<16x128xf32> to vector<1x128xf32>
    %scan3A_226 = arith.constant 0 : i32
    %scan3A_227 = arith.constant 128 : i32
    %scan3A_228 = arith.addi %scan3A_226, %scan3A_227 : i32
    %scan3A_229 = arith.constant 1 : i32
    %scan3A_230 = scf.for %scan3A_255 = %scan3A_226 to %scan3A_228 step %scan3A_229 iter_args(%scan3A_256 = %scan3A_220) -> (vector<16x128xf32>)  : i32 {
      %neg3A = arith.constant 0 : i32
      %neg3A_257 = arith.subi %neg3A, %scan3A_255 : i32
      %roll3A = tpu.dynamic_rotate %slice3A_222 by %neg3A_257 dim 1 : vector<1x128xf32>, i32 -> vector<1x128xf32>
      %slice3A_258 = vector.extract_strided_slice %roll3A {offsets = [0, 0], sizes = [1, 1], strides = [1, 1]} : vector<1x128xf32> to vector<1x1xf32>
      %neg3A_259 = arith.constant 0 : i32
      %neg3A_260 = arith.subi %neg3A_259, %scan3A_255 : i32
      %roll3A_261 = tpu.dynamic_rotate %slice3A_223 by %neg3A_260 dim 1 : vector<1x128xf32>, i32 -> vector<1x128xf32>
      %slice3A_262 = vector.extract_strided_slice %roll3A_261 {offsets = [0, 0], sizes = [1, 1], strides = [1, 1]} : vector<1x128xf32> to vector<1x1xf32>
      %neg3A_263 = arith.constant 0 : i32
      %neg3A_264 = arith.subi %neg3A_263, %scan3A_255 : i32
      %roll3A_265 = tpu.dynamic_rotate %slice3A_224 by %neg3A_264 dim 1 : vector<1x128xf32>, i32 -> vector<1x128xf32>
      %slice3A_266 = vector.extract_strided_slice %roll3A_265 {offsets = [0, 0], sizes = [1, 1], strides = [1, 1]} : vector<1x128xf32> to vector<1x1xf32>
      %neg3A_267 = arith.constant 0 : i32
      %neg3A_268 = arith.subi %neg3A_267, %scan3A_255 : i32
      %roll3A_269 = tpu.dynamic_rotate %slice3A_225 by %neg3A_268 dim 1 : vector<1x128xf32>, i32 -> vector<1x128xf32>
      %slice3A_270 = vector.extract_strided_slice %roll3A_269 {offsets = [0, 0], sizes = [1, 1], strides = [1, 1]} : vector<1x128xf32> to vector<1x1xf32>
      %slice3A_271 = vector.extract_strided_slice %scan3A_256 {offsets = [13, 0], sizes = [1, 128], strides = [1, 1]} : vector<16x128xf32> to vector<1x128xf32>
      %neg3A_272 = arith.constant 0 : i32
      %neg3A_273 = arith.subi %neg3A_272, %scan3A_255 : i32
      %roll3A_274 = tpu.dynamic_rotate %slice3A_271 by %neg3A_273 dim 1 : vector<1x128xf32>, i32 -> vector<1x128xf32>
      %slice3A_275 = vector.extract_strided_slice %roll3A_274 {offsets = [0, 0], sizes = [1, 1], strides = [1, 1]} : vector<1x128xf32> to vector<1x1xf32>
      %sub3A_276 = arith.subf %slice3A_266, %slice3A_258 : vector<1x1xf32>
      %max3A_277 = arith.constant 0.000000e+00 : f32
      %max3A_278 = vector.broadcast %max3A_277 : f32 to vector<1x1xf32>
      %max3A_279 = arith.maximumf %sub3A_276, %max3A_278 : vector<1x1xf32>
      %sub3A_280 = arith.subf %slice3A_270, %slice3A_262 : vector<1x1xf32>
      %max3A_281 = arith.constant 0.000000e+00 : f32
      %max3A_282 = vector.broadcast %max3A_281 : f32 to vector<1x1xf32>
      %max3A_283 = arith.maximumf %sub3A_280, %max3A_282 : vector<1x1xf32>
      %mul3A_284 = arith.mulf %max3A_279, %max3A_283 : vector<1x1xf32>
      %max3A_285 = vector.broadcast %slice3A_258 : vector<1x1xf32> to vector<16x128xf32>
      %max3A_286 = arith.maximumf %max3A_285, %sub3A_55 : vector<16x128xf32>
      %max3A_287 = vector.broadcast %slice3A_262 : vector<1x1xf32> to vector<16x128xf32>
      %max3A_288 = arith.maximumf %max3A_287, %sub3A_59 : vector<16x128xf32>
      %min3A_289 = vector.broadcast %slice3A_266 : vector<1x1xf32> to vector<16x128xf32>
      %min3A_290 = arith.minimumf %min3A_289, %add3A_63 : vector<16x128xf32>
      %min3A_291 = vector.broadcast %slice3A_270 : vector<1x1xf32> to vector<16x128xf32>
      %min3A_292 = arith.minimumf %min3A_291, %add3A_67 : vector<16x128xf32>
      %sub3A_293 = arith.subf %min3A_290, %max3A_286 : vector<16x128xf32>
      %max3A_294 = arith.constant 0.000000e+00 : f32
      %max3A_295 = vector.broadcast %max3A_294 : f32 to vector<16x128xf32>
      %max3A_296 = arith.maximumf %sub3A_293, %max3A_295 : vector<16x128xf32>
      %sub3A_297 = arith.subf %min3A_292, %max3A_288 : vector<16x128xf32>
      %max3A_298 = arith.constant 0.000000e+00 : f32
      %max3A_299 = vector.broadcast %max3A_298 : f32 to vector<16x128xf32>
      %max3A_300 = arith.maximumf %sub3A_297, %max3A_299 : vector<16x128xf32>
      %mul3A_301 = arith.mulf %max3A_296, %max3A_300 : vector<16x128xf32>
      %add3A_302 = vector.broadcast %mul3A_284 : vector<1x1xf32> to vector<16x128xf32>
      %add3A_303 = arith.addf %add3A_302, %mul3A_87 : vector<16x128xf32>
      %sub3A_304 = arith.subf %add3A_303, %mul3A_301 : vector<16x128xf32>
      %add3A_305 = arith.constant 9.99999993E-9 : f32
      %add3A_306 = vector.broadcast %add3A_305 : f32 to vector<16x128xf32>
      %add3A_307 = arith.addf %sub3A_304, %add3A_306 : vector<16x128xf32>
      %div3A = arith.divf %mul3A_301, %add3A_307 : vector<16x128xf32>
      %gt3A = arith.constant 0.699999988 : f32
      %gt3A_308 = vector.broadcast %gt3A : f32 to vector<16x128xf32>
      %gt3A_309 = arith.cmpf ogt, %div3A, %gt3A_308 : vector<16x128xf32>
      %add3A_310 = arith.constant 1664 : i32
      %add3A_311 = arith.addi %add3A_310, %scan3A_255 : i32
      %gt3A_312 = vector.broadcast %add3A_311 : i32 to vector<16x128xi32>
      %gt3A_313 = arith.cmpi sgt, %add3A_92, %gt3A_312 : vector<16x128xi32>
      %and3A = arith.andi %gt3A_309, %gt3A_313 : vector<16x128xi1>
      %gt3A_314 = arith.constant 5.000000e-01 : f32
      %gt3A_315 = vector.broadcast %gt3A_314 : f32 to vector<1x1xf32>
      %gt3A_316 = arith.cmpf ogt, %slice3A_275, %gt3A_315 : vector<1x1xf32>
      %and3A_317 = vector.broadcast %gt3A_316 : vector<1x1xi1> to vector<16x128xi1>
      %and3A_318 = arith.andi %and3A, %and3A_317 : vector<16x128xi1>
      %jit3A_319 = arith.constant 0.000000e+00 : f32
      %broadcast_in_dim3A_320 = vector.broadcast %jit3A_319 : f32 to vector<16x128xf32>
      %select_n3A = arith.select %and3A_318, %broadcast_in_dim3A_320, %scan3A_256 : vector<16x128xi1>, vector<16x128xf32>
      scf.yield %select_n3A : vector<16x128xf32>
    }
    %scan3A_231 = arith.constant 128 : i32
    %slice3A_232 = vector.extract_strided_slice %sub3A_55 {offsets = [14, 0], sizes = [1, 128], strides = [1, 1]} : vector<16x128xf32> to vector<1x128xf32>
    %slice3A_233 = vector.extract_strided_slice %sub3A_59 {offsets = [14, 0], sizes = [1, 128], strides = [1, 1]} : vector<16x128xf32> to vector<1x128xf32>
    %slice3A_234 = vector.extract_strided_slice %add3A_63 {offsets = [14, 0], sizes = [1, 128], strides = [1, 1]} : vector<16x128xf32> to vector<1x128xf32>
    %slice3A_235 = vector.extract_strided_slice %add3A_67 {offsets = [14, 0], sizes = [1, 128], strides = [1, 1]} : vector<16x128xf32> to vector<1x128xf32>
    %scan3A_236 = arith.constant 0 : i32
    %scan3A_237 = arith.constant 128 : i32
    %scan3A_238 = arith.addi %scan3A_236, %scan3A_237 : i32
    %scan3A_239 = arith.constant 1 : i32
    %scan3A_240 = scf.for %scan3A_255 = %scan3A_236 to %scan3A_238 step %scan3A_239 iter_args(%scan3A_256 = %scan3A_230) -> (vector<16x128xf32>)  : i32 {
      %neg3A = arith.constant 0 : i32
      %neg3A_257 = arith.subi %neg3A, %scan3A_255 : i32
      %roll3A = tpu.dynamic_rotate %slice3A_232 by %neg3A_257 dim 1 : vector<1x128xf32>, i32 -> vector<1x128xf32>
      %slice3A_258 = vector.extract_strided_slice %roll3A {offsets = [0, 0], sizes = [1, 1], strides = [1, 1]} : vector<1x128xf32> to vector<1x1xf32>
      %neg3A_259 = arith.constant 0 : i32
      %neg3A_260 = arith.subi %neg3A_259, %scan3A_255 : i32
      %roll3A_261 = tpu.dynamic_rotate %slice3A_233 by %neg3A_260 dim 1 : vector<1x128xf32>, i32 -> vector<1x128xf32>
      %slice3A_262 = vector.extract_strided_slice %roll3A_261 {offsets = [0, 0], sizes = [1, 1], strides = [1, 1]} : vector<1x128xf32> to vector<1x1xf32>
      %neg3A_263 = arith.constant 0 : i32
      %neg3A_264 = arith.subi %neg3A_263, %scan3A_255 : i32
      %roll3A_265 = tpu.dynamic_rotate %slice3A_234 by %neg3A_264 dim 1 : vector<1x128xf32>, i32 -> vector<1x128xf32>
      %slice3A_266 = vector.extract_strided_slice %roll3A_265 {offsets = [0, 0], sizes = [1, 1], strides = [1, 1]} : vector<1x128xf32> to vector<1x1xf32>
      %neg3A_267 = arith.constant 0 : i32
      %neg3A_268 = arith.subi %neg3A_267, %scan3A_255 : i32
      %roll3A_269 = tpu.dynamic_rotate %slice3A_235 by %neg3A_268 dim 1 : vector<1x128xf32>, i32 -> vector<1x128xf32>
      %slice3A_270 = vector.extract_strided_slice %roll3A_269 {offsets = [0, 0], sizes = [1, 1], strides = [1, 1]} : vector<1x128xf32> to vector<1x1xf32>
      %slice3A_271 = vector.extract_strided_slice %scan3A_256 {offsets = [14, 0], sizes = [1, 128], strides = [1, 1]} : vector<16x128xf32> to vector<1x128xf32>
      %neg3A_272 = arith.constant 0 : i32
      %neg3A_273 = arith.subi %neg3A_272, %scan3A_255 : i32
      %roll3A_274 = tpu.dynamic_rotate %slice3A_271 by %neg3A_273 dim 1 : vector<1x128xf32>, i32 -> vector<1x128xf32>
      %slice3A_275 = vector.extract_strided_slice %roll3A_274 {offsets = [0, 0], sizes = [1, 1], strides = [1, 1]} : vector<1x128xf32> to vector<1x1xf32>
      %sub3A_276 = arith.subf %slice3A_266, %slice3A_258 : vector<1x1xf32>
      %max3A_277 = arith.constant 0.000000e+00 : f32
      %max3A_278 = vector.broadcast %max3A_277 : f32 to vector<1x1xf32>
      %max3A_279 = arith.maximumf %sub3A_276, %max3A_278 : vector<1x1xf32>
      %sub3A_280 = arith.subf %slice3A_270, %slice3A_262 : vector<1x1xf32>
      %max3A_281 = arith.constant 0.000000e+00 : f32
      %max3A_282 = vector.broadcast %max3A_281 : f32 to vector<1x1xf32>
      %max3A_283 = arith.maximumf %sub3A_280, %max3A_282 : vector<1x1xf32>
      %mul3A_284 = arith.mulf %max3A_279, %max3A_283 : vector<1x1xf32>
      %max3A_285 = vector.broadcast %slice3A_258 : vector<1x1xf32> to vector<16x128xf32>
      %max3A_286 = arith.maximumf %max3A_285, %sub3A_55 : vector<16x128xf32>
      %max3A_287 = vector.broadcast %slice3A_262 : vector<1x1xf32> to vector<16x128xf32>
      %max3A_288 = arith.maximumf %max3A_287, %sub3A_59 : vector<16x128xf32>
      %min3A_289 = vector.broadcast %slice3A_266 : vector<1x1xf32> to vector<16x128xf32>
      %min3A_290 = arith.minimumf %min3A_289, %add3A_63 : vector<16x128xf32>
      %min3A_291 = vector.broadcast %slice3A_270 : vector<1x1xf32> to vector<16x128xf32>
      %min3A_292 = arith.minimumf %min3A_291, %add3A_67 : vector<16x128xf32>
      %sub3A_293 = arith.subf %min3A_290, %max3A_286 : vector<16x128xf32>
      %max3A_294 = arith.constant 0.000000e+00 : f32
      %max3A_295 = vector.broadcast %max3A_294 : f32 to vector<16x128xf32>
      %max3A_296 = arith.maximumf %sub3A_293, %max3A_295 : vector<16x128xf32>
      %sub3A_297 = arith.subf %min3A_292, %max3A_288 : vector<16x128xf32>
      %max3A_298 = arith.constant 0.000000e+00 : f32
      %max3A_299 = vector.broadcast %max3A_298 : f32 to vector<16x128xf32>
      %max3A_300 = arith.maximumf %sub3A_297, %max3A_299 : vector<16x128xf32>
      %mul3A_301 = arith.mulf %max3A_296, %max3A_300 : vector<16x128xf32>
      %add3A_302 = vector.broadcast %mul3A_284 : vector<1x1xf32> to vector<16x128xf32>
      %add3A_303 = arith.addf %add3A_302, %mul3A_87 : vector<16x128xf32>
      %sub3A_304 = arith.subf %add3A_303, %mul3A_301 : vector<16x128xf32>
      %add3A_305 = arith.constant 9.99999993E-9 : f32
      %add3A_306 = vector.broadcast %add3A_305 : f32 to vector<16x128xf32>
      %add3A_307 = arith.addf %sub3A_304, %add3A_306 : vector<16x128xf32>
      %div3A = arith.divf %mul3A_301, %add3A_307 : vector<16x128xf32>
      %gt3A = arith.constant 0.699999988 : f32
      %gt3A_308 = vector.broadcast %gt3A : f32 to vector<16x128xf32>
      %gt3A_309 = arith.cmpf ogt, %div3A, %gt3A_308 : vector<16x128xf32>
      %add3A_310 = arith.constant 1792 : i32
      %add3A_311 = arith.addi %add3A_310, %scan3A_255 : i32
      %gt3A_312 = vector.broadcast %add3A_311 : i32 to vector<16x128xi32>
      %gt3A_313 = arith.cmpi sgt, %add3A_92, %gt3A_312 : vector<16x128xi32>
      %and3A = arith.andi %gt3A_309, %gt3A_313 : vector<16x128xi1>
      %gt3A_314 = arith.constant 5.000000e-01 : f32
      %gt3A_315 = vector.broadcast %gt3A_314 : f32 to vector<1x1xf32>
      %gt3A_316 = arith.cmpf ogt, %slice3A_275, %gt3A_315 : vector<1x1xf32>
      %and3A_317 = vector.broadcast %gt3A_316 : vector<1x1xi1> to vector<16x128xi1>
      %and3A_318 = arith.andi %and3A, %and3A_317 : vector<16x128xi1>
      %jit3A_319 = arith.constant 0.000000e+00 : f32
      %broadcast_in_dim3A_320 = vector.broadcast %jit3A_319 : f32 to vector<16x128xf32>
      %select_n3A = arith.select %and3A_318, %broadcast_in_dim3A_320, %scan3A_256 : vector<16x128xi1>, vector<16x128xf32>
      scf.yield %select_n3A : vector<16x128xf32>
    }
    %scan3A_241 = arith.constant 128 : i32
    %slice3A_242 = vector.extract_strided_slice %sub3A_55 {offsets = [15, 0], sizes = [1, 128], strides = [1, 1]} : vector<16x128xf32> to vector<1x128xf32>
    %slice3A_243 = vector.extract_strided_slice %sub3A_59 {offsets = [15, 0], sizes = [1, 128], strides = [1, 1]} : vector<16x128xf32> to vector<1x128xf32>
    %slice3A_244 = vector.extract_strided_slice %add3A_63 {offsets = [15, 0], sizes = [1, 128], strides = [1, 1]} : vector<16x128xf32> to vector<1x128xf32>
    %slice3A_245 = vector.extract_strided_slice %add3A_67 {offsets = [15, 0], sizes = [1, 128], strides = [1, 1]} : vector<16x128xf32> to vector<1x128xf32>
    %scan3A_246 = arith.constant 0 : i32
    %scan3A_247 = arith.constant 128 : i32
    %scan3A_248 = arith.addi %scan3A_246, %scan3A_247 : i32
    %scan3A_249 = arith.constant 1 : i32
    %scan3A_250 = scf.for %scan3A_255 = %scan3A_246 to %scan3A_248 step %scan3A_249 iter_args(%scan3A_256 = %scan3A_240) -> (vector<16x128xf32>)  : i32 {
      %neg3A = arith.constant 0 : i32
      %neg3A_257 = arith.subi %neg3A, %scan3A_255 : i32
      %roll3A = tpu.dynamic_rotate %slice3A_242 by %neg3A_257 dim 1 : vector<1x128xf32>, i32 -> vector<1x128xf32>
      %slice3A_258 = vector.extract_strided_slice %roll3A {offsets = [0, 0], sizes = [1, 1], strides = [1, 1]} : vector<1x128xf32> to vector<1x1xf32>
      %neg3A_259 = arith.constant 0 : i32
      %neg3A_260 = arith.subi %neg3A_259, %scan3A_255 : i32
      %roll3A_261 = tpu.dynamic_rotate %slice3A_243 by %neg3A_260 dim 1 : vector<1x128xf32>, i32 -> vector<1x128xf32>
      %slice3A_262 = vector.extract_strided_slice %roll3A_261 {offsets = [0, 0], sizes = [1, 1], strides = [1, 1]} : vector<1x128xf32> to vector<1x1xf32>
      %neg3A_263 = arith.constant 0 : i32
      %neg3A_264 = arith.subi %neg3A_263, %scan3A_255 : i32
      %roll3A_265 = tpu.dynamic_rotate %slice3A_244 by %neg3A_264 dim 1 : vector<1x128xf32>, i32 -> vector<1x128xf32>
      %slice3A_266 = vector.extract_strided_slice %roll3A_265 {offsets = [0, 0], sizes = [1, 1], strides = [1, 1]} : vector<1x128xf32> to vector<1x1xf32>
      %neg3A_267 = arith.constant 0 : i32
      %neg3A_268 = arith.subi %neg3A_267, %scan3A_255 : i32
      %roll3A_269 = tpu.dynamic_rotate %slice3A_245 by %neg3A_268 dim 1 : vector<1x128xf32>, i32 -> vector<1x128xf32>
      %slice3A_270 = vector.extract_strided_slice %roll3A_269 {offsets = [0, 0], sizes = [1, 1], strides = [1, 1]} : vector<1x128xf32> to vector<1x1xf32>
      %slice3A_271 = vector.extract_strided_slice %scan3A_256 {offsets = [15, 0], sizes = [1, 128], strides = [1, 1]} : vector<16x128xf32> to vector<1x128xf32>
      %neg3A_272 = arith.constant 0 : i32
      %neg3A_273 = arith.subi %neg3A_272, %scan3A_255 : i32
      %roll3A_274 = tpu.dynamic_rotate %slice3A_271 by %neg3A_273 dim 1 : vector<1x128xf32>, i32 -> vector<1x128xf32>
      %slice3A_275 = vector.extract_strided_slice %roll3A_274 {offsets = [0, 0], sizes = [1, 1], strides = [1, 1]} : vector<1x128xf32> to vector<1x1xf32>
      %sub3A_276 = arith.subf %slice3A_266, %slice3A_258 : vector<1x1xf32>
      %max3A_277 = arith.constant 0.000000e+00 : f32
      %max3A_278 = vector.broadcast %max3A_277 : f32 to vector<1x1xf32>
      %max3A_279 = arith.maximumf %sub3A_276, %max3A_278 : vector<1x1xf32>
      %sub3A_280 = arith.subf %slice3A_270, %slice3A_262 : vector<1x1xf32>
      %max3A_281 = arith.constant 0.000000e+00 : f32
      %max3A_282 = vector.broadcast %max3A_281 : f32 to vector<1x1xf32>
      %max3A_283 = arith.maximumf %sub3A_280, %max3A_282 : vector<1x1xf32>
      %mul3A_284 = arith.mulf %max3A_279, %max3A_283 : vector<1x1xf32>
      %max3A_285 = vector.broadcast %slice3A_258 : vector<1x1xf32> to vector<16x128xf32>
      %max3A_286 = arith.maximumf %max3A_285, %sub3A_55 : vector<16x128xf32>
      %max3A_287 = vector.broadcast %slice3A_262 : vector<1x1xf32> to vector<16x128xf32>
      %max3A_288 = arith.maximumf %max3A_287, %sub3A_59 : vector<16x128xf32>
      %min3A_289 = vector.broadcast %slice3A_266 : vector<1x1xf32> to vector<16x128xf32>
      %min3A_290 = arith.minimumf %min3A_289, %add3A_63 : vector<16x128xf32>
      %min3A_291 = vector.broadcast %slice3A_270 : vector<1x1xf32> to vector<16x128xf32>
      %min3A_292 = arith.minimumf %min3A_291, %add3A_67 : vector<16x128xf32>
      %sub3A_293 = arith.subf %min3A_290, %max3A_286 : vector<16x128xf32>
      %max3A_294 = arith.constant 0.000000e+00 : f32
      %max3A_295 = vector.broadcast %max3A_294 : f32 to vector<16x128xf32>
      %max3A_296 = arith.maximumf %sub3A_293, %max3A_295 : vector<16x128xf32>
      %sub3A_297 = arith.subf %min3A_292, %max3A_288 : vector<16x128xf32>
      %max3A_298 = arith.constant 0.000000e+00 : f32
      %max3A_299 = vector.broadcast %max3A_298 : f32 to vector<16x128xf32>
      %max3A_300 = arith.maximumf %sub3A_297, %max3A_299 : vector<16x128xf32>
      %mul3A_301 = arith.mulf %max3A_296, %max3A_300 : vector<16x128xf32>
      %add3A_302 = vector.broadcast %mul3A_284 : vector<1x1xf32> to vector<16x128xf32>
      %add3A_303 = arith.addf %add3A_302, %mul3A_87 : vector<16x128xf32>
      %sub3A_304 = arith.subf %add3A_303, %mul3A_301 : vector<16x128xf32>
      %add3A_305 = arith.constant 9.99999993E-9 : f32
      %add3A_306 = vector.broadcast %add3A_305 : f32 to vector<16x128xf32>
      %add3A_307 = arith.addf %sub3A_304, %add3A_306 : vector<16x128xf32>
      %div3A = arith.divf %mul3A_301, %add3A_307 : vector<16x128xf32>
      %gt3A = arith.constant 0.699999988 : f32
      %gt3A_308 = vector.broadcast %gt3A : f32 to vector<16x128xf32>
      %gt3A_309 = arith.cmpf ogt, %div3A, %gt3A_308 : vector<16x128xf32>
      %add3A_310 = arith.constant 1920 : i32
      %add3A_311 = arith.addi %add3A_310, %scan3A_255 : i32
      %gt3A_312 = vector.broadcast %add3A_311 : i32 to vector<16x128xi32>
      %gt3A_313 = arith.cmpi sgt, %add3A_92, %gt3A_312 : vector<16x128xi32>
      %and3A = arith.andi %gt3A_309, %gt3A_313 : vector<16x128xi1>
      %gt3A_314 = arith.constant 5.000000e-01 : f32
      %gt3A_315 = vector.broadcast %gt3A_314 : f32 to vector<1x1xf32>
      %gt3A_316 = arith.cmpf ogt, %slice3A_275, %gt3A_315 : vector<1x1xf32>
      %and3A_317 = vector.broadcast %gt3A_316 : vector<1x1xi1> to vector<16x128xi1>
      %and3A_318 = arith.andi %and3A, %and3A_317 : vector<16x128xi1>
      %jit3A_319 = arith.constant 0.000000e+00 : f32
      %broadcast_in_dim3A_320 = vector.broadcast %jit3A_319 : f32 to vector<16x128xf32>
      %select_n3A = arith.select %and3A_318, %broadcast_in_dim3A_320, %scan3A_256 : vector<16x128xi1>, vector<16x128xf32>
      scf.yield %select_n3A : vector<16x128xf32>
    }
    %scan3A_251 = arith.constant 128 : i32
    %swap3A_252 = arith.constant 0 : index
    %swap3A_253 = arith.constant 0 : index
    %swap3A_254 = vector.load %arg12[%swap3A_252, %swap3A_253] : memref<16x128xf32, #tpu.memory_space<vmem>>, vector<16x128xf32>
    tpu.vector_store %arg12[%swap3A_252, %swap3A_253], %scan3A_250 {strides = array<i32>} : memref<16x128xf32, #tpu.memory_space<vmem>>, vector<16x128xf32>,
    return
  }
}

</mosaic_0001>

<sc_bundles>
// kernel: kernel.4.cloned.1.call-start
scs
__scs_entry_jumppad:
0x0: {  	(pc) =	sbr.rel $0x88, $3  }
0x1: {  	(tag) =	ssettag $0x0;
	lr =	simm.s32 $0x1  }
0x2: {  	[smem:$0x3F9E] =	sst lr;
	_ =	strace $0xD0000000  }
0x3: {  	_ = 	snop  }
0x4: {  	_ = 	snop  }
0x5: {  	_ = 	snop  }
0x6: {  	_ = 	snop  }
0x7: {  	_ = 	snop  }
__scs_overlays_trampoline_lowered:
0x8: {  	[smem:$0x3FAD] =	sst s0  }
0x9: {  	[smem:$0x3FAE] =	sst s1  }
0xa: {  	[smem:$0x3FAF] =	sst s2  }
0xb: {  	[smem:$0x3FB0] =	sst s3  }
0xc: {  	[smem:$0x3FB1] =	sst s4  }
0xd: {  	[smem:$0x3FB2] =	sst s5  }
0xe: {  	[smem:$0x3FB3] =	sst s6  }
0xf: {  	[smem:$0x3FB4] =	sst s7  }
0x10: {  	[smem:$0x3FB5] =	sst s8  }
0x11: {  	[smem:$0x3FB6] =	sst s9;
	s0 =	simm.s32 @!p0 $0x0  }
0x12: {  	s1 =	sld [smem:$0x3F9C];
	s0 =	simm.s32 @p0 $0x1  }
0x13: {  	[smem:$0x3FB7] =	sst s0;
	s0 =	simm.s32 @!p1 $0x0  }
0x14: {  	s2 =	sld [smem:$0x3F9B];
	s0 =	simm.s32 @p1 $0x1  }
0x15: {  	[smem:$0x3FB8] =	sst s0;
	s0 =	simm.s32 @!p2 $0x0  }
0x16: {  	s3 =	sld [smem:$0x3FDB];
	s0 =	simm.s32 @p2 $0x1  }
0x17: {  	s4 =	simm.s32 $0x1BF5;
	[smem:$0x3FBA] =	sst s0  }
0x18: {  	s0 =	sld [smem:$0x3F9D];
	_ =	swait.ge [sflag:s4], $0x0  }
0x19: {  	s7 =	sld [smem:$0x3F9E]  }
0x1a: {  	s8 =	sadd.s32 $0xFFFFE003, lr  }
0x1b: {  	s9 =	sadd.s32 $0xFFFFFEF7, lr;
	s5 =	simm.s32 $0xFFFFFFFF;
	p2 =	slt.u32 s8, $0xFFFFF086  }
0x1c: {  	p1 =	slt.u32 s9, $0xF7A;
	s5 =	simm.s32 @!p2 $0x0  }
0x1d: {  	s5 =	simm.s32 @p1 $0x1;
	p0 =	seq.s32 s7, s2  }
0x1e: {  	s7 =	smul.u32 @!p0 $0xF7A, s2;
	p2 =	seq.s32 @!p0 s5, $0x0  }
0x1f: {  	s9 =	smul.u32 $0xF7A, s1;
	s8 =	simm.s32 @!p0 $0x1BF5;
	p2 =	por !p2, p0  }
0x20: {  	[sflag:s8] =	ssyncset.s32 @!p0 $0xFFFFF086;
	s6 =	sadd.s32 @!p0 s3, s7;
	s7 =	simm.s32 @!p0 $0x108  }
0x21: {  	s3 =	sadd.s32 s3, s9;
	s6 =	sadd.s32 @!p0 $0x88, s6;
	s7 =	simm.s32 @p2 $0x1082  }
0x22: {  	[simem:s7], [sflag:s8] =	dma.local @!p0 [hbm:s6], $0xF7A  }
0x23: {  	s9 =	sor.u32 $0xD0000000, s2;
	s6 =	simm.s32 $0x108;
	_ =	swait.ge @!p0 [sflag:s8], $0x0  }
0x24: {  	s3 =	sadd.s32 $0x88, s3;
	s6 =	simm.s32 @!p1 $0x1082;
	[sflag:s4] =	ssyncset.s32 $0xFFFFF086  }
0x25: {  	[simem:s6], [sflag:s4] =	dma.local [hbm:s3], $0xF7A  }
0x26: {  	[smem:$0x3F9E] =	sst s1;
	(tag) =	ssettag s2;
	_ =	strace s9  }
0x27: {  	s1 =	sld [smem:$0x3FAE]  }
0x28: {  	s2 =	sld [smem:$0x3FAF]  }
0x29: {  	s4 =	sld [smem:$0x3FB1]  }
0x2a: {  	p0 =	seq.s32 s5, $0x0;
	s5 =	sld [smem:$0x3FB2]  }
0x2b: {  	s6 =	sld [smem:$0x3FB3]  }
0x2c: {  	s7 =	sld [smem:$0x3FB4]  }
0x2d: {  	s3 =	simm.s32 $0x108;
	s8 =	sld [smem:$0x3FB5]  }
0x2e: {  	s3 =	simm.s32 @!p0 $0x1082;
	s9 =	sld [smem:$0x3FB6]  }
0x2f: {  	lr =	sadd.s32 s0, s3;
	s0 =	sld [smem:$0x3FAD]  }
0x30: {  	s3 =	sld [smem:$0x3FB0]  }
0x31: {  	[smem:$0x3FB9] =	sst s10  }
0x32: {  	s10 =	sld [smem:$0x3FB7];
	_ =	sdelay $0x3  }
0x33: {  	p0 =	seq.s32 s10, $0x1;
	s10 =	sld [smem:$0x3FB9];
	_ =	sdelay $0x3  }
0x34: {  	[smem:$0x3FB9] =	sst s10  }
0x35: {  	s10 =	sld [smem:$0x3FB8];
	_ =	sdelay $0x3  }
0x36: {  	p1 =	seq.s32 s10, $0x1;
	s10 =	sld [smem:$0x3FB9];
	_ =	sdelay $0x3  }
0x37: {  	[smem:$0x3FB9] =	sst s10  }
0x38: {  	s10 =	sld [smem:$0x3FBA]  }
0x39: {  	_ = 	snop;
	(pc) =	sbr.ind lr, $3  }
0x3a: {  	_ = 	snop  }
0x3b: {  	_ = 	snop  }
0x3c: {  	p2 =	seq.s32 s10, $0x1;
	s10 =	sld [smem:$0x3FB9]  }
0x3d: {  	_ =	shalt  }
0x3e: {  	_ =	shalt  }
0x3f: {  	_ =	shalt  }
0x40: {  	_ =	shalt  }
0x41: {  	_ =	shalt  }
0x42: {  	_ =	shalt  }
0x43: {  	_ =	shalt  }
0x44: {  	_ =	shalt  }
0x45: {  	_ =	shalt  }
0x46: {  	_ =	shalt  }
0x47: {  	_ =	shalt  }
0x48: {  	_ =	shalt  }
0x49: {  	_ =	shalt  }
0x4a: {  	_ =	shalt  }
0x4b: {  	_ =	shalt  }
0x4c: {  	_ =	shalt  }
0x4d: {  	_ =	shalt  }
0x4e: {  	_ =	shalt  }
0x4f: {  	_ =	shalt  }
0x50: {  	_ =	shalt  }
0x51: {  	_ =	shalt  }
0x52: {  	_ =	shalt  }
0x53: {  	_ =	shalt  }
0x54: {  	_ =	shalt  }
0x55: {  	_ =	shalt  }
0x56: {  	_ =	shalt  }
0x57: {  	_ =	shalt  }
0x58: {  	_ =	shalt  }
0x59: {  	_ =	shalt  }
0x5a: {  	_ =	shalt  }
0x5b: {  	_ =	shalt  }
0x5c: {  	_ =	shalt  }
0x5d: {  	_ =	shalt  }
0x5e: {  	_ =	shalt  }
0x5f: {  	_ =	shalt  }
0x60: {  	_ =	shalt  }
0x61: {  	_ =	shalt  }
0x62: {  	_ =	shalt  }
0x63: {  	_ =	shalt  }
0x64: {  	_ =	shalt  }
0x65: {  	_ =	shalt  }
0x66: {  	_ =	shalt  }
0x67: {  	_ =	shalt  }
0x68: {  	_ =	shalt  }
0x69: {  	_ =	shalt  }
0x6a: {  	_ =	shalt  }
0x6b: {  	_ =	shalt  }
0x6c: {  	_ =	shalt  }
0x6d: {  	_ =	shalt  }
0x6e: {  	_ =	shalt  }
0x6f: {  	_ =	shalt  }
0x70: {  	_ =	shalt  }
0x71: {  	_ =	shalt  }
0x72: {  	_ =	shalt  }
0x73: {  	_ =	shalt  }
0x74: {  	_ =	shalt  }
0x75: {  	_ =	shalt  }
0x76: {  	_ =	shalt  }
0x77: {  	_ =	shalt  }
0x78: {  	_ =	shalt  }
0x79: {  	_ =	shalt  }
0x7a: {  	_ =	shalt  }
0x7b: {  	_ =	shalt  }
0x7c: {  	_ =	shalt  }
0x7d: {  	_ =	shalt  }
0x7e: {  	_ =	shalt  }
0x7f: {  	_ =	shalt  }
0x80: {  	_ =	shalt  }
0x81: {  	_ =	shalt  }
0x82: {  	_ =	shalt  }
0x83: {  	_ =	shalt  }
0x84: {  	_ =	shalt  }
0x85: {  	_ =	shalt  }
0x86: {  	_ =	shalt  }
0x87: {  	_ =	shalt  }
.Lfunc_end0:
.L_simem_size_0:
called_computation_lowered:
.L_overlay_start_0:
0x88: {  	s2 =	sld [smem:$0x3FD9]  }
0x89: {  	s3 =	sld [smem:$0x3FFE];
	_ =	sdelay $0x1  }
0x8a: {  	s1 =	srdreg.scid  }
0x8b: {  	s0 =	sand.u32 $0x1, s1  }
0x8c: {  	s17 =	sshll.u32 s0, $0xA;
	s2 =	sadd.s32 s3, s2  }
0x8d: {  	s2 =	sadd.s32 s2, s17  }
0x8e: {  	[smem:$0x3FC5] =	sst s2  }
0x8f: {  	_ = 	snop  }
0x90: {  	s2 =	sld [smem:$0x3FD0];
	(tm) =	ssettm $0x1  }
0x91: {  	s18 =	sld [smem:$0x3FFB];
	_ =	sdelay $0x3  }
0x92: {  	_ =	strace s18  }
0x93: {  	s3 =	sld [smem:$0x3FFC];
	_ =	sdelay $0x3  }
0x94: {  	_ =	strace s3  }
0x95: {  	s3 =	sld [smem:$0x3FFD];
	_ =	sdelay $0x3  }
0x96: {  	_ =	strace s3  }
0x97: {  	_ =	strace $0x8FFFFFFF  }
0x98: {  	s19 =	sld [smem:$0x3FDB];
	_ =	sdelay $0x1  }
0x99: {  	s4 =	simm.s32 $_scs_section_size  }
0x9a: {  	s5 =	simm.s32 $_size__tile_overlayer_lowered;
	s6 =	simm.s32 $_tile_overlayer_lowered  }
0x9b: {  	s22 =	simm.s32 $0x1BFF;
	s21 =	sshll.u32 s6, $0x1;
	s3 =	sadd.s32 s4, s19  }
0x9c: {  	s7 =	simm.s32 $0x0;
	s20 =	sshll.u32 s5, $0x1;
	s5 =	sadd.s32 s21, s3  }
0x9d: {  	[timem:s7], [sflag:s22] =	dma.local [hbm:s5], s20  }
0x9e: {  	_ =	swait.ge [sflag:s22], s20  }
0x9f: {  	s4 =	ssub.s32 $0x0, s20;
	[sflag:s22] =	ssyncset.done $0x0  }
0xa0: {  	[sflag:s22] =	ssyncadd.s32 s4;
	_ =	sdelay $0x1  }
0xa1: {  	s23 =	simm.s32 $0x1B8B  }
0xa2: {  	_ =	swait.ge [sflag:s23], $0x1  }
0xa3: {  	[sflag:s23] =	ssyncset.done $0x0  }
0xa4: {  	s25 =	simm.s32 $0x1B8E;
	s24 =	sld [smem:$0x3FFE];
	[sflag:s23] =	ssyncadd.s32 $0xFFFFFFFF  }
0xa5: {  	s26 =	simm.s32 $execute0_lowered;
	[smem:$0x3FD2] =	sst s25  }
0xa6: {  	s5 =	sshll.u32 s26, $0x1;
	_ =	strace $0x80000046;
	[dreg:$0x1] =	wrdreg $0xFFFFFFFF  }
0xa7: {  	s28 =	simm.s32 $_size_execute0_lowered;
	s3 =	sadd.s32 s3, s5;
	[dreg:$0x0] =	wrdreg $0x0  }
0xa8: {  	s5 =	sshll.u32 s28, $0x1;
	[dreg:$0x2] =	wrdreg s3  }
0xa9: {  	[dreg:$0x3] =	wrdreg s5  }
0xaa: {  	[dreg:$0x4] =	wrdreg $0xC0  }
0xab: {  	_ =	task [dreg:s7], $0x5FFFF  }
0xac: {  	[dreg:$0x1] =	wrdreg $0xFFFFFFFF  }
0xad: {  	[dreg:$0x0] =	wrdreg $0x60  }
0xae: {  	[dreg:$0x2] =	wrdreg s24  }
0xaf: {  	[dreg:$0x3] =	wrdreg s2  }
0xb0: {  	[dreg:$0x4] =	wrdreg $0x9  }
0xb1: {  	_ =	task.clear_ibuf [dreg:s7], $0x5FFFF;
	_ =	strace $0x90000046  }
0xb2: {  	s29 =	simm.s32 $0x9;
	_ =	strace $0x80000048  }
0xb3: {  	_ =	swait.ge [sflag:s29], $0x1  }
0xb4: {  	[sflag:s29] =	ssyncadd.s32 $0xFFFFFFFF  }
0xb5: {  	_ =	strace $0x90000048  }
0xb6: {  	_ =	sfence  }
0xb7: {  	s30 =	sld [smem:$0x0];
	_ =	sdelay $0x2  }
0xb8: {  	s31 =	sshll.u32 s1, $0xD;
	s1 =	sshrl.u32 s1, $0x2  }
0xb9: {  	s3 =	sand.u32 $0x4000, s31;
	s1 =	sadd.s32 s1, s30  }
0xba: {  	s0 =	sor.u32 s3, s0;
	s1 =	sshll.u32 s1, $0x11  }
0xbb: {  	s0 =	sor.u32 s1, s0  }
0xbc: {  	s0 =	sadd.s32 $0x8F2B, s0  }
0xbd: {  	[sflag:s0] =	ssyncadd.remote.s32 $0x1  }
0xbe: {  	_ =	sfence.sel $0xFFFF  }
0xbf: {  	[dreg:$0x0] =	wrdreg $0xFFFFFFFF;
	(pc) =	sbr.abs _section_cstart, $3  }
0xc0: {  	[dreg:$0x1] =	wrdreg $0xFFFFFFFF  }
0xc1: {  	_ =	task.clear_ibuf [dreg:s7], $0x2FFFF;
	_ =	strace $0x9FFFFFFF  }
0xc2: {  	(tm) =	ssettm $0x7FFFFFFF  }
0xc3: {  	_ =	shalt  }
tec
execute0_lowered:
.L_overlay_start_1:
0x0: {  	(tag) =	ssettag $0x1  }
0x1: {  	s1 =	srdreg.scid;
	s2 =	rddreg [dreg:$0x0]  }
0x2: {  	s0 =	stileid.u32;
	s4 =	rddreg [dreg:$0x1];
	s6 =	sand.u32 $0x1, s1  }
0x3: {  	s3 =	simm.s32 $0x0;
	s5 =	sshll.u32 s0, $0x7;
	s7 =	sshll.u32 s6, $0x6  }
0x4: {  	[smem:$0x7FF] =	sst s3;
	s9 =	sor.u32 s7, s5  }
0x5: {  	s1 =	rddreg [dreg:$0x2];
	_ =	strace $0x80000047;
	s5 =	sshrl.u32 s9, $0x3  }
0x6: {  	s10 =	ssub.s32 $0x2, s6;
	s5 =	sadd.s32 s4, s5;
	s4 =	simm.s32 $0x2  }
0x7: {  	[tilespmem:s3], [sflag:$0x2] =	stream.linear.gather [hbm4b:s5+s3], $0x40, $0x38;
	[tilespmem:$0x2080] =	vst v63  }
0x8: {  	s8 =	simm.s32 $0x1;
	s11 =	sshrl.u32 s10, $0x1;
	_ =	swait.ge [sflag:s4], $0x40  }
0x9: {  	s6 =	simm.s32 $0x40;
	s10 =	ssub.s32 s10, s11;
	[sflag:s4] =	ssyncset.done $0x0  }
0xa: {  	s7 =	simm.s32 $0x80;
	s10 =	smax.u32 s10, $0x1;
	[sflag:s4] =	ssyncadd.s32 $0xFFFFFFC0  }
0xb: {  	[tilespmem:s7], [sflag:$0x1] =	stream.indirect.gather [hbm4b:s2+s6], $0x80, s3, s6, $0xb8;
	[tilespmem:$0x2080] =	vst v63  }
0xc: {  	s9 =	sshll.u32 s9, $0x4;
	p0 =	sne.s32 s10, $0x1;
	_ =	swait.ge [sflag:s8], $0x2000  }
.Ltmp0:
0xd: {  	s9 =	sadd.s32 s9, s2;
	[sflag:s8] =	ssyncset.done $0x0;
	(pc) =	sbr.rel @!p0 .LBB2_2-.Ltmp0, $4  }
0xe: {  	s9 =	sadd.s32 $0x4E200, s9;
	[sflag:s8] =	ssyncadd.s32 $0xFFFFE000  }
0xf: {  	[hbm4b:s9+s3] =	stream.linear.scatter [tilespmem:s7], [sflag:$0x2], $0x2000, $0x38;
	[tilespmem:$0x2080] =	vst v63  }
0x10: {  	_ =	swait.ge [sflag:s4], $0x2000  }
0x11: {  	s10 =	sadd.s32 $0xFFFFFFFF, s10;
	[sflag:s4] =	ssyncset.done $0x0  }
.LBB2_1:
0x12: {  	p0 =	sne.s32 s10, $0x1;
	s10 =	sadd.s32 $0xFFFFFFFF, s10;
	[sflag:s4] =	ssyncadd.s32 $0xFFFFE000  }
0x13: {  	[tilespmem:s3], [sflag:$0x2] =	stream.linear.gather [hbm4b:s5+s3], $0x40, $0x38;
	[tilespmem:$0x2080] =	vst v63  }
0x14: {  	_ =	swait.ge [sflag:s4], $0x40  }
0x15: {  	[sflag:s4] =	ssyncset.done $0x0  }
0x16: {  	[sflag:s4] =	ssyncadd.s32 $0xFFFFFFC0  }
0x17: {  	[tilespmem:s7], [sflag:$0x1] =	stream.indirect.gather [hbm4b:s2+s6], $0x80, s3, s6, $0xb8;
	[tilespmem:$0x2080] =	vst v63  }
0x18: {  	_ =	swait.ge [sflag:s8], $0x2000  }
.Ltmp1:
0x19: {  	[sflag:s8] =	ssyncset.done $0x0;
	(pc) =	sbr.rel @p0 .LBB2_1-.Ltmp1, $4  }
0x1a: {  	[sflag:s8] =	ssyncadd.s32 $0xFFFFE000  }
0x1b: {  	[hbm4b:s9+s3] =	stream.linear.scatter [tilespmem:s7], [sflag:$0x2], $0x2000, $0x38;
	[tilespmem:$0x2080] =	vst v63  }
0x1c: {  	_ =	swait.ge [sflag:s4], $0x2000  }
0x1d: {  	[sflag:s4] =	ssyncset.done $0x0  }
.LBB2_2:
0x1e: {  	[sflag:s4] =	ssyncadd.s32 $0xFFFFE000  }
0x1f: {  	_ =	sfence.sel $0x180000  }
0x20: {  	[bflag:$0x0] =	sbarrier.arrive $0xFFFF  }
0x21: {  	p0 =	sne.s32 s0, $0x0;
	_ =	strace $0x90000047  }
0x22: {  	s0 =	sadd.s32 @!p0 $0x100000, s1;
	[bflag:$0x2] =	sbarrier.arrive $0xFFFF  }
0x23: {  	[sflag:s0] =	ssyncadd.tile.s32 @!p0 $0x1;
	_ =	shalt  }
.Lfunc_end2:
_tile_overlayer_lowered:
.L_overlay_start_2:
0x24: {  	(tag) =	ssettag $0x2  }
0x25: {  	s0 =	rddreg [dreg:$0x0];
	s2 =	stileid.u32  }
0x26: {  	s1 =	rddreg [dreg:$0x1];
	p0 =	sne.s32 s2, $0x0  }
0x27: {  	s3 =	rddreg [dreg:$0x2];
	[bflag:$0x3] =	sbarrier.arrive $0xFFFF;
	s2 =	simm.s32 @!p0 $0x1C02  }
0x28: {  	[timem:s3], [sflag:s2] =	dma.local @!p0 [hbm:s0], s1  }
0x29: {  	s0 =	simm.s32 @!p0 $0x2  }
0x2a: {  	_ =	swait.ge @!p0 [sflag:s0], s1  }
0x2b: {  	s1 =	ssub.s32 @!p0 $0x0, s1;
	[sflag:s0] =	ssyncset.done @!p0 $0x0  }
0x2c: {  	[sflag:s0] =	ssyncadd.s32 @!p0 s1  }
0x2d: {  	[bflag:$0x3] =	sbarrier.arrive $0xFFFF  }
0x2e: {  	_ =	shalt  }

</sc_bundles>
